<compile_context>
chip_gen: v7x
topology: tpu7x:2x2x1
jax: 0.10.2.dev20260603
libtpu: 0.0.44.dev20260713+nightly
codegen_flags: <defaults>
</compile_context>

<pallas_src>
import functools

import jax
import jax.numpy as jnp
from jax import lax
from jax.experimental import pallas as pl
from jax.experimental.pallas import tpu as pltpu
from jax.experimental.pallas import tpu_sc as plsc

VOCAB = 1000000
D_MODEL = 64
BATCH = 16384
SEQ = 50
NUM_CORES = 2
NUM_SUBCORES = 16
NW = NUM_CORES * NUM_SUBCORES
CHUNK = 128
NBBLK = BATCH // CHUNK
BBLK_PER_W = NBBLK // NW
N_CHUNK = SEQ * BBLK_PER_W
DBLK = D_MODEL // 8

_mesh = plsc.VectorSubcoreMesh(core_axis_name="c", subcore_axis_name="s")


@functools.partial(
    pl.kernel,
    mesh=_mesh,
    out_type=jax.ShapeDtypeStruct((SEQ, DBLK, NBBLK, 8, CHUNK), jnp.float32),
    scratch_types=[
        pltpu.VMEM((SEQ, BBLK_PER_W * CHUNK), jnp.int32),
        pltpu.VMEM((CHUNK, D_MODEL), jnp.float32),
        pltpu.VMEM((CHUNK, D_MODEL), jnp.float32),
        pltpu.VMEM((D_MODEL, CHUNK + 1), jnp.float32),
        pltpu.VMEM((D_MODEL, CHUNK + 1), jnp.float32),
        pltpu.SemaphoreType.DMA,
        pltpu.SemaphoreType.DMA,
        pltpu.SemaphoreType.DMA,
        pltpu.SemaphoreType.DMA,
    ],
    compiler_params=pltpu.CompilerParams(
        use_tc_tiling_on_sc=False, needs_layout_passes=False
    ),
)
def _gather_kernel(idx_hbm, table_hbm, out_hbm, idx_v, g0, g1, t0, t1,
                   gsem0, gsem1, osem0, osem1):
    wid = lax.axis_index("s") * NUM_CORES + lax.axis_index("c")
    gbufs = (g0, g1)
    tbufs = (t0, t1)
    gsems = (gsem0, gsem1)
    osems = (osem0, osem1)

    pltpu.sync_copy(
        idx_hbm.at[:, pl.ds(wid * BBLK_PER_W * CHUNK, BBLK_PER_W * CHUNK)],
        idx_v,
    )

    def chunk_sj(c):
        return c // BBLK_PER_W, c % BBLK_PER_W

    def gather_descr(c, b):
        s, j = chunk_sj(c)
        return pltpu.make_async_copy(
            table_hbm.at[idx_v.at[s, pl.ds(j * CHUNK, CHUNK)]],
            gbufs[b],
            gsems[b],
        )

    def out_descrs(c, b):
        s, j = chunk_sj(c)
        return [
            pltpu.make_async_copy(
                tbufs[b].at[pl.ds(dblk * 8, 8), pl.ds(0, CHUNK)],
                out_hbm.at[s, dblk, wid * BBLK_PER_W + j],
                osems[b],
            )
            for dblk in range(DBLK)
        ]

    iv16 = lax.iota(jnp.int32, 16)
    ivt = [iv16 + 16 * k for k in range(8)]
    iv_zero = iv16 * 0

    ivd = [iv16 + 16 * k for k in range(4)]

    def transpose_chunk(c, b):
        gbuf, tbuf = gbufs[b], tbufs[b]

        def tbody(t, carry):
            iv_t = iv_zero + t
            vs = [gbuf[t, pl.ds(k * 16, 16)] for k in range(4)]
            for k in range(4):
                plsc.store_scatter(tbuf, [ivd[k], iv_t], vs[k])
            return carry

        lax.fori_loop(0, CHUNK, tbody, 0)

    gather_descr(0, 0).start()

    def outer(p, carry):
        for b in range(2):
            c = p * 2 + b
            if b == 0:
                gather_descr(c + 1, 1).start()
            else:
                @pl.when(p < N_CHUNK // 2 - 1)
                def _():
                    gather_descr(c + 1, 0).start()
            gather_descr(c, b).wait()

            @pl.when(p >= 1)
            def _():
                for d in out_descrs(c - 2, b):
                    d.wait()

            transpose_chunk(c, b)
            for d in out_descrs(c, b):
                d.start()
        return carry

    lax.fori_loop(0, N_CHUNK // 2, outer, 0)
    for d in out_descrs(N_CHUNK - 2, 0):
        d.wait()
    for d in out_descrs(N_CHUNK - 1, 1):
        d.wait()


def kernel(token_ids, weights):
    idx_t = token_ids.T
    p5 = _gather_kernel(idx_t, weights)
    return p5.transpose(2, 4, 0, 1, 3).reshape(BATCH, SEQ, D_MODEL)

# --- scband reference (transcript-rebuilt; emitter-appended) ---
"""Pipeline reference for scband-embedding-29248727286201 (READ-ONLY COPY).

The authoritative reference and input builder live on the scoring server;
editing this copy changes nothing except your own understanding.
"""

import jax, jax.numpy as jnp
import numpy as np

VOCAB = 1000000
D_MODEL = 64
BATCH = 16384
SEQ = 50

def setup_inputs(seed: int = 0) -> dict:
    key = jax.random.key(seed)
    k_ids, k_w = jax.random.split(key)
    token_ids = jax.random.randint(k_ids, (BATCH, SEQ), 0, VOCAB, dtype=jnp.int64 if jax.config.jax_enable_x64 else jnp.int32)
    weights = jax.random.normal(k_w, (VOCAB, D_MODEL), dtype=jnp.float32)
    return {"token_ids": token_ids, "weights": weights}

def reference(token_ids, weights):
    # Faithful translation of: self.data[token_ids]
    return jnp.take(weights, token_ids, axis=0)

if __name__ == "__main__":
    import jax
    _d = setup_inputs()
    print(jax.jit(kernel)(*tuple(_d.values())))

</pallas_src>

<mosaic_0001>
#map = affine_map<(d0, d1) -> (0, 0)>
#map1 = affine_map<(d0, d1) -> (0, 0, 0, 0, 0)>
module attributes {stable_mosaic.version = 14 : i64} {
  func.func @_gather_kernel(%arg0: i32, %arg1: i32, %arg2: memref<50x16384xi32, #tpu.memory_space<hbm>>, %arg3: memref<1000000x64xf32, #tpu.memory_space<hbm>>, %arg4: memref<50x8x128x8x128xf32, #tpu.memory_space<hbm>>, %arg5: memref<50x512xi32, #tpu.memory_space<vmem>>, %arg6: memref<128x64xf32, #tpu.memory_space<vmem>>, %arg7: memref<128x64xf32, #tpu.memory_space<vmem>>, %arg8: memref<64x129xf32, #tpu.memory_space<vmem>>, %arg9: memref<64x129xf32, #tpu.memory_space<vmem>>, %arg10: memref<!tpu.dma_semaphore, #tpu.memory_space<semaphore_mem>>, %arg11: memref<!tpu.dma_semaphore, #tpu.memory_space<semaphore_mem>>, %arg12: memref<!tpu.dma_semaphore, #tpu.memory_space<semaphore_mem>>, %arg13: memref<!tpu.dma_semaphore, #tpu.memory_space<semaphore_mem>>) attributes {dimension_semantics = [#tpu.dimension_semantics<core_parallel>, #tpu.dimension_semantics<subcore_parallel>], iteration_bounds = array<i64: 2, 16>, scalar_prefetch = 0 : i64, scratch_operands = 9 : i64, tpu.core_type = #tpu.core_type<sc_vector_subcore>, window_params = [{transform_indices = #map}, {transform_indices = #map}, {transform_indices = #map1}]} {
    %mul3A = arith.constant 2 : i32
    %mul3A_0 = arith.muli %arg1, %mul3A : i32
    %add3A = arith.addi %mul3A_0, %arg0 : i32
    %mul3A_1 = arith.constant 4 : i32
    %mul3A_2 = arith.muli %add3A, %mul3A_1 : i32
    %mul3A_3 = arith.constant 128 : i32
    %mul3A_4 = arith.muli %mul3A_2, %mul3A_3 : i32
    "tpu.region"() ({
      %run_scoped3A = tpu.sem_alloc : memref<!tpu.dma_semaphore, #tpu.memory_space<semaphore_mem>>
      %dma_start3A_374 = arith.constant 0 : i32
      %dma_start3A_375 = tpu.memref_slice %arg2[%dma_start3A_374, %mul3A_4] : memref<50x16384xi32, #tpu.memory_space<hbm>> -> memref<50x512xi32, #tpu.memory_space<hbm>>
      %dma_start3A_376 = arith.constant 0 : i32
      %dma_start3A_377 = tpu.memref_slice %arg2[%dma_start3A_376, %mul3A_4] : memref<50x16384xi32, #tpu.memory_space<hbm>> -> memref<50x512xi32, #tpu.memory_space<hbm>>
      tpu.enqueue_dma source(%dma_start3A_377 : memref<50x512xi32, #tpu.memory_space<hbm>>) target(%arg5 : memref<50x512xi32, #tpu.memory_space<vmem>>) target_semaphore(%run_scoped3A : memref<!tpu.dma_semaphore, #tpu.memory_space<semaphore_mem>>)
      %dma_wait3A_378 = arith.constant 0 : i32
      %dma_wait3A_379 = tpu.memref_slice %arg2[%dma_wait3A_378, %mul3A_4] : memref<50x16384xi32, #tpu.memory_space<hbm>> -> memref<50x512xi32, #tpu.memory_space<hbm>>
      %dma_wait3A_380 = arith.constant 0 : i32
      %dma_wait3A_381 = tpu.memref_slice %arg2[%dma_wait3A_380, %mul3A_4] : memref<50x16384xi32, #tpu.memory_space<hbm>> -> memref<50x512xi32, #tpu.memory_space<hbm>>
      tpu.wait_dma2 semaphore(%run_scoped3A : memref<!tpu.dma_semaphore, #tpu.memory_space<semaphore_mem>>) src(%dma_wait3A_381 : memref<50x512xi32, #tpu.memory_space<hbm>>) dst(%arg5 : memref<50x512xi32, #tpu.memory_space<vmem>>)
      tpu.yield
    }) : () -> ()
    %iota3A = tpu.iota {dimensions = array<i32: 0>} : vector<16xi32>
    %add3A_5 = arith.constant 0 : i32
    %add3A_6 = vector.broadcast %add3A_5 : i32 to vector<16xi32>
    %add3A_7 = arith.addi %iota3A, %add3A_6 : vector<16xi32>
    %add3A_8 = arith.constant 16 : i32
    %add3A_9 = vector.broadcast %add3A_8 : i32 to vector<16xi32>
    %add3A_10 = arith.addi %iota3A, %add3A_9 : vector<16xi32>
    %add3A_11 = arith.constant 32 : i32
    %add3A_12 = vector.broadcast %add3A_11 : i32 to vector<16xi32>
    %add3A_13 = arith.addi %iota3A, %add3A_12 : vector<16xi32>
    %add3A_14 = arith.constant 48 : i32
    %add3A_15 = vector.broadcast %add3A_14 : i32 to vector<16xi32>
    %add3A_16 = arith.addi %iota3A, %add3A_15 : vector<16xi32>
    %add3A_17 = arith.constant 64 : i32
    %add3A_18 = vector.broadcast %add3A_17 : i32 to vector<16xi32>
    %add3A_19 = arith.addi %iota3A, %add3A_18 : vector<16xi32>
    %add3A_20 = arith.constant 80 : i32
    %add3A_21 = vector.broadcast %add3A_20 : i32 to vector<16xi32>
    %add3A_22 = arith.addi %iota3A, %add3A_21 : vector<16xi32>
    %add3A_23 = arith.constant 96 : i32
    %add3A_24 = vector.broadcast %add3A_23 : i32 to vector<16xi32>
    %add3A_25 = arith.addi %iota3A, %add3A_24 : vector<16xi32>
    %add3A_26 = arith.constant 112 : i32
    %add3A_27 = vector.broadcast %add3A_26 : i32 to vector<16xi32>
    %add3A_28 = arith.addi %iota3A, %add3A_27 : vector<16xi32>
    %mul3A_29 = arith.constant 0 : i32
    %mul3A_30 = vector.broadcast %mul3A_29 : i32 to vector<16xi32>
    %mul3A_31 = arith.muli %iota3A, %mul3A_30 : vector<16xi32>
    %add3A_32 = arith.constant 0 : i32
    %add3A_33 = vector.broadcast %add3A_32 : i32 to vector<16xi32>
    %add3A_34 = arith.addi %iota3A, %add3A_33 : vector<16xi32>
    %add3A_35 = arith.constant 16 : i32
    %add3A_36 = vector.broadcast %add3A_35 : i32 to vector<16xi32>
    %add3A_37 = arith.addi %iota3A, %add3A_36 : vector<16xi32>
    %add3A_38 = arith.constant 32 : i32
    %add3A_39 = vector.broadcast %add3A_38 : i32 to vector<16xi32>
    %add3A_40 = arith.addi %iota3A, %add3A_39 : vector<16xi32>
    %add3A_41 = arith.constant 48 : i32
    %add3A_42 = vector.broadcast %add3A_41 : i32 to vector<16xi32>
    %add3A_43 = arith.addi %iota3A, %add3A_42 : vector<16xi32>
    %dma_start3A = arith.constant 0 : i32
    %dma_start3A_44 = arith.constant 0 : i32
    %dma_start3A_45 = tpu.memref_slice %arg5[%dma_start3A, %dma_start3A_44] : memref<50x512xi32, #tpu.memory_space<vmem>> -> memref<1x128xi32, #tpu.memory_space<vmem>>
    %dma_start3A_46 = tpu.memref_squeeze %dma_start3A_45 : memref<1x128xi32, #tpu.memory_space<vmem>> -> memref<128xi32, #tpu.memory_space<vmem>>
    %dma_start3A_47 = arith.constant 0 : i32
    %dma_start3A_48 = arith.constant 0 : i32
    %dma_start3A_49 = tpu.memref_slice %arg3[%dma_start3A_47, %dma_start3A_48] : memref<1000000x64xf32, #tpu.memory_space<hbm>> -> memref<1000000x64xf32, #tpu.memory_space<hbm>>
    tpu.enqueue_indirect_dma source(%dma_start3A_49 : memref<1000000x64xf32, #tpu.memory_space<hbm>>) target(%arg6 : memref<128x64xf32, #tpu.memory_space<vmem>>) offsets(%dma_start3A_46 : memref<128xi32, #tpu.memory_space<vmem>>) semaphore(%arg10 : memref<!tpu.dma_semaphore, #tpu.memory_space<semaphore_mem>>)
    %scan3A = arith.constant 0 : i32
    %scan3A_50 = arith.constant 0 : i32
    %scan3A_51 = arith.constant 100 : i32
    %scan3A_52 = arith.addi %scan3A_50, %scan3A_51 : i32
    %scan3A_53 = arith.constant 1 : i32
    scf.for %scan3A_374 = %scan3A_50 to %scan3A_52 step %scan3A_53  : i32 {
      %mul3A_375 = arith.constant 2 : i32
      %mul3A_376 = arith.muli %scan3A_374, %mul3A_375 : i32
      %add3A_377 = arith.constant 0 : i32
      %add3A_378 = arith.addi %mul3A_376, %add3A_377 : i32
      %add3A_379 = arith.constant 1 : i32
      %add3A_380 = arith.addi %add3A_378, %add3A_379 : i32
      %jit3A = arith.constant 4 : i32
      %div3A = arith.divsi %add3A_380, %jit3A : i32
      %sign3A = arith.constant 0 : i32
      %sign3A_381 = arith.cmpi sgt, %add3A_380, %sign3A : i32
      %sign3A_382 = arith.extui %sign3A_381 : i1 to i32
      %sign3A_383 = arith.constant 0 : i32
      %sign3A_384 = arith.cmpi slt, %add3A_380, %sign3A_383 : i32
      %sign3A_385 = arith.extui %sign3A_384 : i1 to i32
      %sign3A_386 = arith.subi %sign3A_382, %sign3A_385 : i32
      %sign3A_387 = arith.constant 0 : i32
      %sign3A_388 = arith.cmpi sgt, %jit3A, %sign3A_387 : i32
      %sign3A_389 = arith.extui %sign3A_388 : i1 to i32
      %sign3A_390 = arith.constant 0 : i32
      %sign3A_391 = arith.cmpi slt, %jit3A, %sign3A_390 : i32
      %sign3A_392 = arith.extui %sign3A_391 : i1 to i32
      %sign3A_393 = arith.subi %sign3A_389, %sign3A_392 : i32
      %ne3A = arith.cmpi ne, %sign3A_386, %sign3A_393 : i32
      %rem3A = arith.remsi %add3A_380, %jit3A : i32
      %ne3A_394 = arith.constant 0 : i32
      %ne3A_395 = arith.cmpi ne, %rem3A, %ne3A_394 : i32
      %and3A = arith.andi %ne3A, %ne3A_395 : i1
      %sub3A = arith.constant 1 : i32
      %sub3A_396 = arith.subi %div3A, %sub3A : i32
      %select_n3A = arith.select %and3A, %sub3A_396, %div3A : i32
      %jit3A_397 = arith.constant 4 : i32
      %eq3A = arith.constant 0 : i32
      %eq3A_398 = arith.cmpi eq, %jit3A_397, %eq3A : i32
      %jit3A_399 = arith.constant 1 : i32
      %select_n3A_400 = arith.select %eq3A_398, %jit3A_399, %jit3A_397 : i32
      %rem3A_401 = arith.remsi %add3A_380, %select_n3A_400 : i32
      %ne3A_402 = arith.constant 0 : i32
      %ne3A_403 = arith.cmpi ne, %rem3A_401, %ne3A_402 : i32
      %lt3A = arith.constant 0 : i32
      %lt3A_404 = arith.cmpi slt, %rem3A_401, %lt3A : i32
      %lt3A_405 = arith.constant 0 : i32
      %lt3A_406 = arith.cmpi slt, %select_n3A_400, %lt3A_405 : i32
      %ne3A_407 = arith.xori %lt3A_404, %lt3A_406 : i1
      %and3A_408 = arith.andi %ne3A_407, %ne3A_403 : i1
      %add3A_409 = arith.addi %rem3A_401, %select_n3A_400 : i32
      %select_n3A_410 = arith.select %and3A_408, %add3A_409, %rem3A_401 : i32
      %mul3A_411 = arith.constant 128 : i32
      %mul3A_412 = arith.muli %select_n3A_410, %mul3A_411 : i32
      %dma_start3A_413 = tpu.memref_slice %arg5[%select_n3A, %mul3A_412] : memref<50x512xi32, #tpu.memory_space<vmem>> -> memref<1x128xi32, #tpu.memory_space<vmem>>
      %dma_start3A_414 = tpu.memref_squeeze %dma_start3A_413 : memref<1x128xi32, #tpu.memory_space<vmem>> -> memref<128xi32, #tpu.memory_space<vmem>>
      %dma_start3A_415 = arith.constant 0 : i32
      %dma_start3A_416 = arith.constant 0 : i32
      %dma_start3A_417 = tpu.memref_slice %arg3[%dma_start3A_415, %dma_start3A_416] : memref<1000000x64xf32, #tpu.memory_space<hbm>> -> memref<1000000x64xf32, #tpu.memory_space<hbm>>
      tpu.enqueue_indirect_dma source(%dma_start3A_417 : memref<1000000x64xf32, #tpu.memory_space<hbm>>) target(%arg7 : memref<128x64xf32, #tpu.memory_space<vmem>>) offsets(%dma_start3A_414 : memref<128xi32, #tpu.memory_space<vmem>>) semaphore(%arg11 : memref<!tpu.dma_semaphore, #tpu.memory_space<semaphore_mem>>)
      %jit3A_418 = arith.constant 4 : i32
      %div3A_419 = arith.divsi %add3A_378, %jit3A_418 : i32
      %sign3A_420 = arith.constant 0 : i32
      %sign3A_421 = arith.cmpi sgt, %add3A_378, %sign3A_420 : i32
      %sign3A_422 = arith.extui %sign3A_421 : i1 to i32
      %sign3A_423 = arith.constant 0 : i32
      %sign3A_424 = arith.cmpi slt, %add3A_378, %sign3A_423 : i32
      %sign3A_425 = arith.extui %sign3A_424 : i1 to i32
      %sign3A_426 = arith.subi %sign3A_422, %sign3A_425 : i32
      %sign3A_427 = arith.constant 0 : i32
      %sign3A_428 = arith.cmpi sgt, %jit3A_418, %sign3A_427 : i32
      %sign3A_429 = arith.extui %sign3A_428 : i1 to i32
      %sign3A_430 = arith.constant 0 : i32
      %sign3A_431 = arith.cmpi slt, %jit3A_418, %sign3A_430 : i32
      %sign3A_432 = arith.extui %sign3A_431 : i1 to i32
      %sign3A_433 = arith.subi %sign3A_429, %sign3A_432 : i32
      %ne3A_434 = arith.cmpi ne, %sign3A_426, %sign3A_433 : i32
      %rem3A_435 = arith.remsi %add3A_378, %jit3A_418 : i32
      %ne3A_436 = arith.constant 0 : i32
      %ne3A_437 = arith.cmpi ne, %rem3A_435, %ne3A_436 : i32
      %and3A_438 = arith.andi %ne3A_434, %ne3A_437 : i1
      %sub3A_439 = arith.constant 1 : i32
      %sub3A_440 = arith.subi %div3A_419, %sub3A_439 : i32
      %select_n3A_441 = arith.select %and3A_438, %sub3A_440, %div3A_419 : i32
      %jit3A_442 = arith.constant 4 : i32
      %eq3A_443 = arith.constant 0 : i32
      %eq3A_444 = arith.cmpi eq, %jit3A_442, %eq3A_443 : i32
      %jit3A_445 = arith.constant 1 : i32
      %select_n3A_446 = arith.select %eq3A_444, %jit3A_445, %jit3A_442 : i32
      %rem3A_447 = arith.remsi %add3A_378, %select_n3A_446 : i32
      %ne3A_448 = arith.constant 0 : i32
      %ne3A_449 = arith.cmpi ne, %rem3A_447, %ne3A_448 : i32
      %lt3A_450 = arith.constant 0 : i32
      %lt3A_451 = arith.cmpi slt, %rem3A_447, %lt3A_450 : i32
      %lt3A_452 = arith.constant 0 : i32
      %lt3A_453 = arith.cmpi slt, %select_n3A_446, %lt3A_452 : i32
      %ne3A_454 = arith.xori %lt3A_451, %lt3A_453 : i1
      %and3A_455 = arith.andi %ne3A_454, %ne3A_449 : i1
      %add3A_456 = arith.addi %rem3A_447, %select_n3A_446 : i32
      %select_n3A_457 = arith.select %and3A_455, %add3A_456, %rem3A_447 : i32
      %mul3A_458 = arith.constant 128 : i32
      %mul3A_459 = arith.muli %select_n3A_457, %mul3A_458 : i32
      %dma_wait3A_460 = tpu.memref_slice %arg5[%select_n3A_441, %mul3A_459] : memref<50x512xi32, #tpu.memory_space<vmem>> -> memref<1x128xi32, #tpu.memory_space<vmem>>
      %dma_wait3A_461 = tpu.memref_squeeze %dma_wait3A_460 : memref<1x128xi32, #tpu.memory_space<vmem>> -> memref<128xi32, #tpu.memory_space<vmem>>
      %dma_wait3A_462 = arith.constant 0 : i32
      %dma_wait3A_463 = arith.constant 0 : i32
      %dma_wait3A_464 = tpu.memref_slice %arg3[%dma_wait3A_462, %dma_wait3A_463] : memref<1000000x64xf32, #tpu.memory_space<hbm>> -> memref<1000000x64xf32, #tpu.memory_space<hbm>>
      tpu.wait_indirect_dma semaphore(%arg10 : memref<!tpu.dma_semaphore, #tpu.memory_space<semaphore_mem>>) src(%dma_wait3A_464 : memref<1000000x64xf32, #tpu.memory_space<hbm>>) dst(%arg6 : memref<128x64xf32, #tpu.memory_space<vmem>>)
      %ge3A = arith.constant 1 : i32
      %ge3A_465 = arith.cmpi sge, %scan3A_374, %ge3A : i32
      %convert_element_type3A = arith.extui %ge3A_465 : i1 to i32
      %cond3A = arith.constant 0 : i32
      %cond3A_466 = arith.cmpi ne, %convert_element_type3A, %cond3A : i32
      scf.if %cond3A_466 {
        %sub3A_908 = arith.constant 2 : i32
        %sub3A_909 = arith.subi %add3A_378, %sub3A_908 : i32
        %jit3A_910 = arith.constant 4 : i32
        %div3A_911 = arith.divsi %sub3A_909, %jit3A_910 : i32
        %sign3A_912 = arith.constant 0 : i32
        %sign3A_913 = arith.cmpi sgt, %sub3A_909, %sign3A_912 : i32
        %sign3A_914 = arith.extui %sign3A_913 : i1 to i32
        %sign3A_915 = arith.constant 0 : i32
        %sign3A_916 = arith.cmpi slt, %sub3A_909, %sign3A_915 : i32
        %sign3A_917 = arith.extui %sign3A_916 : i1 to i32
        %sign3A_918 = arith.subi %sign3A_914, %sign3A_917 : i32
        %sign3A_919 = arith.constant 0 : i32
        %sign3A_920 = arith.cmpi sgt, %jit3A_910, %sign3A_919 : i32
        %sign3A_921 = arith.extui %sign3A_920 : i1 to i32
        %sign3A_922 = arith.constant 0 : i32
        %sign3A_923 = arith.cmpi slt, %jit3A_910, %sign3A_922 : i32
        %sign3A_924 = arith.extui %sign3A_923 : i1 to i32
        %sign3A_925 = arith.subi %sign3A_921, %sign3A_924 : i32
        %ne3A_926 = arith.cmpi ne, %sign3A_918, %sign3A_925 : i32
        %rem3A_927 = arith.remsi %sub3A_909, %jit3A_910 : i32
        %ne3A_928 = arith.constant 0 : i32
        %ne3A_929 = arith.cmpi ne, %rem3A_927, %ne3A_928 : i32
        %and3A_930 = arith.andi %ne3A_926, %ne3A_929 : i1
        %sub3A_931 = arith.constant 1 : i32
        %sub3A_932 = arith.subi %div3A_911, %sub3A_931 : i32
        %select_n3A_933 = arith.select %and3A_930, %sub3A_932, %div3A_911 : i32
        %jit3A_934 = arith.constant 4 : i32
        %eq3A_935 = arith.constant 0 : i32
        %eq3A_936 = arith.cmpi eq, %jit3A_934, %eq3A_935 : i32
        %jit3A_937 = arith.constant 1 : i32
        %select_n3A_938 = arith.select %eq3A_936, %jit3A_937, %jit3A_934 : i32
        %rem3A_939 = arith.remsi %sub3A_909, %select_n3A_938 : i32
        %ne3A_940 = arith.constant 0 : i32
        %ne3A_941 = arith.cmpi ne, %rem3A_939, %ne3A_940 : i32
        %lt3A_942 = arith.constant 0 : i32
        %lt3A_943 = arith.cmpi slt, %rem3A_939, %lt3A_942 : i32
        %lt3A_944 = arith.constant 0 : i32
        %lt3A_945 = arith.cmpi slt, %select_n3A_938, %lt3A_944 : i32
        %ne3A_946 = arith.xori %lt3A_943, %lt3A_945 : i1
        %and3A_947 = arith.andi %ne3A_946, %ne3A_941 : i1
        %add3A_948 = arith.addi %rem3A_939, %select_n3A_938 : i32
        %select_n3A_949 = arith.select %and3A_947, %add3A_948, %rem3A_939 : i32
        %mul3A_950 = arith.constant 4 : i32
        %mul3A_951 = arith.muli %add3A, %mul3A_950 : i32
        %add3A_952 = arith.addi %mul3A_951, %select_n3A_949 : i32
        %mul3A_953 = arith.constant 4 : i32
        %mul3A_954 = arith.muli %add3A, %mul3A_953 : i32
        %add3A_955 = arith.addi %mul3A_954, %select_n3A_949 : i32
        %mul3A_956 = arith.constant 4 : i32
        %mul3A_957 = arith.muli %add3A, %mul3A_956 : i32
        %add3A_958 = arith.addi %mul3A_957, %select_n3A_949 : i32
        %mul3A_959 = arith.constant 4 : i32
        %mul3A_960 = arith.muli %add3A, %mul3A_959 : i32
        %add3A_961 = arith.addi %mul3A_960, %select_n3A_949 : i32
        %mul3A_962 = arith.constant 4 : i32
        %mul3A_963 = arith.muli %add3A, %mul3A_962 : i32
        %add3A_964 = arith.addi %mul3A_963, %select_n3A_949 : i32
        %mul3A_965 = arith.constant 4 : i32
        %mul3A_966 = arith.muli %add3A, %mul3A_965 : i32
        %add3A_967 = arith.addi %mul3A_966, %select_n3A_949 : i32
        %mul3A_968 = arith.constant 4 : i32
        %mul3A_969 = arith.muli %add3A, %mul3A_968 : i32
        %add3A_970 = arith.addi %mul3A_969, %select_n3A_949 : i32
        %mul3A_971 = arith.constant 4 : i32
        %mul3A_972 = arith.muli %add3A, %mul3A_971 : i32
        %add3A_973 = arith.addi %mul3A_972, %select_n3A_949 : i32
        %dma_wait3A_974 = arith.constant 0 : i32
        %dma_wait3A_975 = arith.constant 0 : i32
        %dma_wait3A_976 = arith.constant 0 : i32
        %dma_wait3A_977 = tpu.memref_slice %arg8[%dma_wait3A_975, %dma_wait3A_976] : memref<64x129xf32, #tpu.memory_space<vmem>> -> memref<8x128xf32, #tpu.memory_space<vmem>>
        %dma_wait3A_978 = arith.constant 0 : i32
        %dma_wait3A_979 = arith.constant 0 : i32
        %dma_wait3A_980 = tpu.memref_slice %arg4[%select_n3A_933, %dma_wait3A_974, %add3A_952, %dma_wait3A_978, %dma_wait3A_979] : memref<50x8x128x8x128xf32, #tpu.memory_space<hbm>> -> memref<1x1x1x8x128xf32, #tpu.memory_space<hbm>>
        %dma_wait3A_981 = tpu.memref_squeeze %dma_wait3A_980 : memref<1x1x1x8x128xf32, #tpu.memory_space<hbm>> -> memref<8x128xf32, #tpu.memory_space<hbm>>
        %dma_wait3A_982 = arith.constant 0 : i32
        %dma_wait3A_983 = arith.constant 0 : i32
        %dma_wait3A_984 = tpu.memref_slice %arg4[%select_n3A_933, %dma_wait3A_974, %add3A_952, %dma_wait3A_982, %dma_wait3A_983] : memref<50x8x128x8x128xf32, #tpu.memory_space<hbm>> -> memref<1x1x1x8x128xf32, #tpu.memory_space<hbm>>
        %dma_wait3A_985 = tpu.memref_squeeze %dma_wait3A_984 : memref<1x1x1x8x128xf32, #tpu.memory_space<hbm>> -> memref<8x128xf32, #tpu.memory_space<hbm>>
        %dma_wait3A_986 = arith.constant 0 : i32
        %dma_wait3A_987 = arith.constant 0 : i32
        %dma_wait3A_988 = tpu.memref_slice %arg8[%dma_wait3A_986, %dma_wait3A_987] : memref<64x129xf32, #tpu.memory_space<vmem>> -> memref<8x128xf32, #tpu.memory_space<vmem>>
        tpu.wait_dma2 semaphore(%arg12 : memref<!tpu.dma_semaphore, #tpu.memory_space<semaphore_mem>>) src(%dma_wait3A_988 : memref<8x128xf32, #tpu.memory_space<vmem>>) dst(%dma_wait3A_985 : memref<8x128xf32, #tpu.memory_space<hbm>>)
        %dma_wait3A_989 = arith.constant 1 : i32
        %dma_wait3A_990 = arith.constant 8 : i32
        %dma_wait3A_991 = arith.constant 0 : i32
        %dma_wait3A_992 = tpu.memref_slice %arg8[%dma_wait3A_990, %dma_wait3A_991] : memref<64x129xf32, #tpu.memory_space<vmem>> -> memref<8x128xf32, #tpu.memory_space<vmem>>
        %dma_wait3A_993 = arith.constant 0 : i32
        %dma_wait3A_994 = arith.constant 0 : i32
        %dma_wait3A_995 = tpu.memref_slice %arg4[%select_n3A_933, %dma_wait3A_989, %add3A_955, %dma_wait3A_993, %dma_wait3A_994] : memref<50x8x128x8x128xf32, #tpu.memory_space<hbm>> -> memref<1x1x1x8x128xf32, #tpu.memory_space<hbm>>
        %dma_wait3A_996 = tpu.memref_squeeze %dma_wait3A_995 : memref<1x1x1x8x128xf32, #tpu.memory_space<hbm>> -> memref<8x128xf32, #tpu.memory_space<hbm>>
        %dma_wait3A_997 = arith.constant 0 : i32
        %dma_wait3A_998 = arith.constant 0 : i32
        %dma_wait3A_999 = tpu.memref_slice %arg4[%select_n3A_933, %dma_wait3A_989, %add3A_955, %dma_wait3A_997, %dma_wait3A_998] : memref<50x8x128x8x128xf32, #tpu.memory_space<hbm>> -> memref<1x1x1x8x128xf32, #tpu.memory_space<hbm>>
        %dma_wait3A_1000 = tpu.memref_squeeze %dma_wait3A_999 : memref<1x1x1x8x128xf32, #tpu.memory_space<hbm>> -> memref<8x128xf32, #tpu.memory_space<hbm>>
        %dma_wait3A_1001 = arith.constant 8 : i32
        %dma_wait3A_1002 = arith.constant 0 : i32
        %dma_wait3A_1003 = tpu.memref_slice %arg8[%dma_wait3A_1001, %dma_wait3A_1002] : memref<64x129xf32, #tpu.memory_space<vmem>> -> memref<8x128xf32, #tpu.memory_space<vmem>>
        tpu.wait_dma2 semaphore(%arg12 : memref<!tpu.dma_semaphore, #tpu.memory_space<semaphore_mem>>) src(%dma_wait3A_1003 : memref<8x128xf32, #tpu.memory_space<vmem>>) dst(%dma_wait3A_1000 : memref<8x128xf32, #tpu.memory_space<hbm>>)
        %dma_wait3A_1004 = arith.constant 2 : i32
        %dma_wait3A_1005 = arith.constant 16 : i32
        %dma_wait3A_1006 = arith.constant 0 : i32
        %dma_wait3A_1007 = tpu.memref_slice %arg8[%dma_wait3A_1005, %dma_wait3A_1006] : memref<64x129xf32, #tpu.memory_space<vmem>> -> memref<8x128xf32, #tpu.memory_space<vmem>>
        %dma_wait3A_1008 = arith.constant 0 : i32
        %dma_wait3A_1009 = arith.constant 0 : i32
        %dma_wait3A_1010 = tpu.memref_slice %arg4[%select_n3A_933, %dma_wait3A_1004, %add3A_958, %dma_wait3A_1008, %dma_wait3A_1009] : memref<50x8x128x8x128xf32, #tpu.memory_space<hbm>> -> memref<1x1x1x8x128xf32, #tpu.memory_space<hbm>>
        %dma_wait3A_1011 = tpu.memref_squeeze %dma_wait3A_1010 : memref<1x1x1x8x128xf32, #tpu.memory_space<hbm>> -> memref<8x128xf32, #tpu.memory_space<hbm>>
        %dma_wait3A_1012 = arith.constant 0 : i32
        %dma_wait3A_1013 = arith.constant 0 : i32
        %dma_wait3A_1014 = tpu.memref_slice %arg4[%select_n3A_933, %dma_wait3A_1004, %add3A_958, %dma_wait3A_1012, %dma_wait3A_1013] : memref<50x8x128x8x128xf32, #tpu.memory_space<hbm>> -> memref<1x1x1x8x128xf32, #tpu.memory_space<hbm>>
        %dma_wait3A_1015 = tpu.memref_squeeze %dma_wait3A_1014 : memref<1x1x1x8x128xf32, #tpu.memory_space<hbm>> -> memref<8x128xf32, #tpu.memory_space<hbm>>
        %dma_wait3A_1016 = arith.constant 16 : i32
        %dma_wait3A_1017 = arith.constant 0 : i32
        %dma_wait3A_1018 = tpu.memref_slice %arg8[%dma_wait3A_1016, %dma_wait3A_1017] : memref<64x129xf32, #tpu.memory_space<vmem>> -> memref<8x128xf32, #tpu.memory_space<vmem>>
        tpu.wait_dma2 semaphore(%arg12 : memref<!tpu.dma_semaphore, #tpu.memory_space<semaphore_mem>>) src(%dma_wait3A_1018 : memref<8x128xf32, #tpu.memory_space<vmem>>) dst(%dma_wait3A_1015 : memref<8x128xf32, #tpu.memory_space<hbm>>)
        %dma_wait3A_1019 = arith.constant 3 : i32
        %dma_wait3A_1020 = arith.constant 24 : i32
        %dma_wait3A_1021 = arith.constant 0 : i32
        %dma_wait3A_1022 = tpu.memref_slice %arg8[%dma_wait3A_1020, %dma_wait3A_1021] : memref<64x129xf32, #tpu.memory_space<vmem>> -> memref<8x128xf32, #tpu.memory_space<vmem>>
        %dma_wait3A_1023 = arith.constant 0 : i32
        %dma_wait3A_1024 = arith.constant 0 : i32
        %dma_wait3A_1025 = tpu.memref_slice %arg4[%select_n3A_933, %dma_wait3A_1019, %add3A_961, %dma_wait3A_1023, %dma_wait3A_1024] : memref<50x8x128x8x128xf32, #tpu.memory_space<hbm>> -> memref<1x1x1x8x128xf32, #tpu.memory_space<hbm>>
        %dma_wait3A_1026 = tpu.memref_squeeze %dma_wait3A_1025 : memref<1x1x1x8x128xf32, #tpu.memory_space<hbm>> -> memref<8x128xf32, #tpu.memory_space<hbm>>
        %dma_wait3A_1027 = arith.constant 0 : i32
        %dma_wait3A_1028 = arith.constant 0 : i32
        %dma_wait3A_1029 = tpu.memref_slice %arg4[%select_n3A_933, %dma_wait3A_1019, %add3A_961, %dma_wait3A_1027, %dma_wait3A_1028] : memref<50x8x128x8x128xf32, #tpu.memory_space<hbm>> -> memref<1x1x1x8x128xf32, #tpu.memory_space<hbm>>
        %dma_wait3A_1030 = tpu.memref_squeeze %dma_wait3A_1029 : memref<1x1x1x8x128xf32, #tpu.memory_space<hbm>> -> memref<8x128xf32, #tpu.memory_space<hbm>>
        %dma_wait3A_1031 = arith.constant 24 : i32
        %dma_wait3A_1032 = arith.constant 0 : i32
        %dma_wait3A_1033 = tpu.memref_slice %arg8[%dma_wait3A_1031, %dma_wait3A_1032] : memref<64x129xf32, #tpu.memory_space<vmem>> -> memref<8x128xf32, #tpu.memory_space<vmem>>
        tpu.wait_dma2 semaphore(%arg12 : memref<!tpu.dma_semaphore, #tpu.memory_space<semaphore_mem>>) src(%dma_wait3A_1033 : memref<8x128xf32, #tpu.memory_space<vmem>>) dst(%dma_wait3A_1030 : memref<8x128xf32, #tpu.memory_space<hbm>>)
        %dma_wait3A_1034 = arith.constant 4 : i32
        %dma_wait3A_1035 = arith.constant 32 : i32
        %dma_wait3A_1036 = arith.constant 0 : i32
        %dma_wait3A_1037 = tpu.memref_slice %arg8[%dma_wait3A_1035, %dma_wait3A_1036] : memref<64x129xf32, #tpu.memory_space<vmem>> -> memref<8x128xf32, #tpu.memory_space<vmem>>
        %dma_wait3A_1038 = arith.constant 0 : i32
        %dma_wait3A_1039 = arith.constant 0 : i32
        %dma_wait3A_1040 = tpu.memref_slice %arg4[%select_n3A_933, %dma_wait3A_1034, %add3A_964, %dma_wait3A_1038, %dma_wait3A_1039] : memref<50x8x128x8x128xf32, #tpu.memory_space<hbm>> -> memref<1x1x1x8x128xf32, #tpu.memory_space<hbm>>
        %dma_wait3A_1041 = tpu.memref_squeeze %dma_wait3A_1040 : memref<1x1x1x8x128xf32, #tpu.memory_space<hbm>> -> memref<8x128xf32, #tpu.memory_space<hbm>>
        %dma_wait3A_1042 = arith.constant 0 : i32
        %dma_wait3A_1043 = arith.constant 0 : i32
        %dma_wait3A_1044 = tpu.memref_slice %arg4[%select_n3A_933, %dma_wait3A_1034, %add3A_964, %dma_wait3A_1042, %dma_wait3A_1043] : memref<50x8x128x8x128xf32, #tpu.memory_space<hbm>> -> memref<1x1x1x8x128xf32, #tpu.memory_space<hbm>>
        %dma_wait3A_1045 = tpu.memref_squeeze %dma_wait3A_1044 : memref<1x1x1x8x128xf32, #tpu.memory_space<hbm>> -> memref<8x128xf32, #tpu.memory_space<hbm>>
        %dma_wait3A_1046 = arith.constant 32 : i32
        %dma_wait3A_1047 = arith.constant 0 : i32
        %dma_wait3A_1048 = tpu.memref_slice %arg8[%dma_wait3A_1046, %dma_wait3A_1047] : memref<64x129xf32, #tpu.memory_space<vmem>> -> memref<8x128xf32, #tpu.memory_space<vmem>>
        tpu.wait_dma2 semaphore(%arg12 : memref<!tpu.dma_semaphore, #tpu.memory_space<semaphore_mem>>) src(%dma_wait3A_1048 : memref<8x128xf32, #tpu.memory_space<vmem>>) dst(%dma_wait3A_1045 : memref<8x128xf32, #tpu.memory_space<hbm>>)
        %dma_wait3A_1049 = arith.constant 5 : i32
        %dma_wait3A_1050 = arith.constant 40 : i32
        %dma_wait3A_1051 = arith.constant 0 : i32
        %dma_wait3A_1052 = tpu.memref_slice %arg8[%dma_wait3A_1050, %dma_wait3A_1051] : memref<64x129xf32, #tpu.memory_space<vmem>> -> memref<8x128xf32, #tpu.memory_space<vmem>>
        %dma_wait3A_1053 = arith.constant 0 : i32
        %dma_wait3A_1054 = arith.constant 0 : i32
        %dma_wait3A_1055 = tpu.memref_slice %arg4[%select_n3A_933, %dma_wait3A_1049, %add3A_967, %dma_wait3A_1053, %dma_wait3A_1054] : memref<50x8x128x8x128xf32, #tpu.memory_space<hbm>> -> memref<1x1x1x8x128xf32, #tpu.memory_space<hbm>>
        %dma_wait3A_1056 = tpu.memref_squeeze %dma_wait3A_1055 : memref<1x1x1x8x128xf32, #tpu.memory_space<hbm>> -> memref<8x128xf32, #tpu.memory_space<hbm>>
        %dma_wait3A_1057 = arith.constant 0 : i32
        %dma_wait3A_1058 = arith.constant 0 : i32
        %dma_wait3A_1059 = tpu.memref_slice %arg4[%select_n3A_933, %dma_wait3A_1049, %add3A_967, %dma_wait3A_1057, %dma_wait3A_1058] : memref<50x8x128x8x128xf32, #tpu.memory_space<hbm>> -> memref<1x1x1x8x128xf32, #tpu.memory_space<hbm>>
        %dma_wait3A_1060 = tpu.memref_squeeze %dma_wait3A_1059 : memref<1x1x1x8x128xf32, #tpu.memory_space<hbm>> -> memref<8x128xf32, #tpu.memory_space<hbm>>
        %dma_wait3A_1061 = arith.constant 40 : i32
        %dma_wait3A_1062 = arith.constant 0 : i32
        %dma_wait3A_1063 = tpu.memref_slice %arg8[%dma_wait3A_1061, %dma_wait3A_1062] : memref<64x129xf32, #tpu.memory_space<vmem>> -> memref<8x128xf32, #tpu.memory_space<vmem>>
        tpu.wait_dma2 semaphore(%arg12 : memref<!tpu.dma_semaphore, #tpu.memory_space<semaphore_mem>>) src(%dma_wait3A_1063 : memref<8x128xf32, #tpu.memory_space<vmem>>) dst(%dma_wait3A_1060 : memref<8x128xf32, #tpu.memory_space<hbm>>)
        %dma_wait3A_1064 = arith.constant 6 : i32
        %dma_wait3A_1065 = arith.constant 48 : i32
        %dma_wait3A_1066 = arith.constant 0 : i32
        %dma_wait3A_1067 = tpu.memref_slice %arg8[%dma_wait3A_1065, %dma_wait3A_1066] : memref<64x129xf32, #tpu.memory_space<vmem>> -> memref<8x128xf32, #tpu.memory_space<vmem>>
        %dma_wait3A_1068 = arith.constant 0 : i32
        %dma_wait3A_1069 = arith.constant 0 : i32
        %dma_wait3A_1070 = tpu.memref_slice %arg4[%select_n3A_933, %dma_wait3A_1064, %add3A_970, %dma_wait3A_1068, %dma_wait3A_1069] : memref<50x8x128x8x128xf32, #tpu.memory_space<hbm>> -> memref<1x1x1x8x128xf32, #tpu.memory_space<hbm>>
        %dma_wait3A_1071 = tpu.memref_squeeze %dma_wait3A_1070 : memref<1x1x1x8x128xf32, #tpu.memory_space<hbm>> -> memref<8x128xf32, #tpu.memory_space<hbm>>
        %dma_wait3A_1072 = arith.constant 0 : i32
        %dma_wait3A_1073 = arith.constant 0 : i32
        %dma_wait3A_1074 = tpu.memref_slice %arg4[%select_n3A_933, %dma_wait3A_1064, %add3A_970, %dma_wait3A_1072, %dma_wait3A_1073] : memref<50x8x128x8x128xf32, #tpu.memory_space<hbm>> -> memref<1x1x1x8x128xf32, #tpu.memory_space<hbm>>
        %dma_wait3A_1075 = tpu.memref_squeeze %dma_wait3A_1074 : memref<1x1x1x8x128xf32, #tpu.memory_space<hbm>> -> memref<8x128xf32, #tpu.memory_space<hbm>>
        %dma_wait3A_1076 = arith.constant 48 : i32
        %dma_wait3A_1077 = arith.constant 0 : i32
        %dma_wait3A_1078 = tpu.memref_slice %arg8[%dma_wait3A_1076, %dma_wait3A_1077] : memref<64x129xf32, #tpu.memory_space<vmem>> -> memref<8x128xf32, #tpu.memory_space<vmem>>
        tpu.wait_dma2 semaphore(%arg12 : memref<!tpu.dma_semaphore, #tpu.memory_space<semaphore_mem>>) src(%dma_wait3A_1078 : memref<8x128xf32, #tpu.memory_space<vmem>>) dst(%dma_wait3A_1075 : memref<8x128xf32, #tpu.memory_space<hbm>>)
        %dma_wait3A_1079 = arith.constant 7 : i32
        %dma_wait3A_1080 = arith.constant 56 : i32
        %dma_wait3A_1081 = arith.constant 0 : i32
        %dma_wait3A_1082 = tpu.memref_slice %arg8[%dma_wait3A_1080, %dma_wait3A_1081] : memref<64x129xf32, #tpu.memory_space<vmem>> -> memref<8x128xf32, #tpu.memory_space<vmem>>
        %dma_wait3A_1083 = arith.constant 0 : i32
        %dma_wait3A_1084 = arith.constant 0 : i32
        %dma_wait3A_1085 = tpu.memref_slice %arg4[%select_n3A_933, %dma_wait3A_1079, %add3A_973, %dma_wait3A_1083, %dma_wait3A_1084] : memref<50x8x128x8x128xf32, #tpu.memory_space<hbm>> -> memref<1x1x1x8x128xf32, #tpu.memory_space<hbm>>
        %dma_wait3A_1086 = tpu.memref_squeeze %dma_wait3A_1085 : memref<1x1x1x8x128xf32, #tpu.memory_space<hbm>> -> memref<8x128xf32, #tpu.memory_space<hbm>>
        %dma_wait3A_1087 = arith.constant 0 : i32
        %dma_wait3A_1088 = arith.constant 0 : i32
        %dma_wait3A_1089 = tpu.memref_slice %arg4[%select_n3A_933, %dma_wait3A_1079, %add3A_973, %dma_wait3A_1087, %dma_wait3A_1088] : memref<50x8x128x8x128xf32, #tpu.memory_space<hbm>> -> memref<1x1x1x8x128xf32, #tpu.memory_space<hbm>>
        %dma_wait3A_1090 = tpu.memref_squeeze %dma_wait3A_1089 : memref<1x1x1x8x128xf32, #tpu.memory_space<hbm>> -> memref<8x128xf32, #tpu.memory_space<hbm>>
        %dma_wait3A_1091 = arith.constant 56 : i32
        %dma_wait3A_1092 = arith.constant 0 : i32
        %dma_wait3A_1093 = tpu.memref_slice %arg8[%dma_wait3A_1091, %dma_wait3A_1092] : memref<64x129xf32, #tpu.memory_space<vmem>> -> memref<8x128xf32, #tpu.memory_space<vmem>>
        tpu.wait_dma2 semaphore(%arg12 : memref<!tpu.dma_semaphore, #tpu.memory_space<semaphore_mem>>) src(%dma_wait3A_1093 : memref<8x128xf32, #tpu.memory_space<vmem>>) dst(%dma_wait3A_1090 : memref<8x128xf32, #tpu.memory_space<hbm>>)
      } else {
      }
      %scan3A_467 = arith.constant 0 : i32
      %scan3A_468 = arith.constant 0 : i32
      %scan3A_469 = arith.constant 128 : i32
      %scan3A_470 = arith.addi %scan3A_468, %scan3A_469 : i32
      %scan3A_471 = arith.constant 1 : i32
      scf.for %scan3A_908 = %scan3A_468 to %scan3A_470 step %scan3A_471  : i32 {
        %add3A_909 = vector.broadcast %scan3A_908 : i32 to vector<16xi32>
        %add3A_910 = arith.addi %mul3A_31, %add3A_909 : vector<16xi32>
        %get3A = arith.index_cast %scan3A_908 : i32 to index
        %get3A_911 = arith.constant 0 : index
        %get3A_912 = tpu.vector_load %arg6[%get3A, %get3A_911] {strides = array<i32>} : memref<128x64xf32, #tpu.memory_space<vmem>>, vector<16xf32>,
        %get3A_913 = arith.index_cast %scan3A_908 : i32 to index
        %get3A_914 = arith.constant 16 : index
        %get3A_915 = tpu.vector_load %arg6[%get3A_913, %get3A_914] {strides = array<i32>} : memref<128x64xf32, #tpu.memory_space<vmem>>, vector<16xf32>,
        %get3A_916 = arith.index_cast %scan3A_908 : i32 to index
        %get3A_917 = arith.constant 32 : index
        %get3A_918 = tpu.vector_load %arg6[%get3A_916, %get3A_917] {strides = array<i32>} : memref<128x64xf32, #tpu.memory_space<vmem>>, vector<16xf32>,
        %get3A_919 = arith.index_cast %scan3A_908 : i32 to index
        %get3A_920 = arith.constant 48 : index
        %get3A_921 = tpu.vector_load %arg6[%get3A_919, %get3A_920] {strides = array<i32>} : memref<128x64xf32, #tpu.memory_space<vmem>>, vector<16xf32>,
        tpu.vector_store_idx %arg8[%add3A_34, %add3A_910], %get3A_912 : memref<64x129xf32, #tpu.memory_space<vmem>>[vector<16xi32>, vector<16xi32>], vector<16xf32>,
        tpu.vector_store_idx %arg8[%add3A_37, %add3A_910], %get3A_915 : memref<64x129xf32, #tpu.memory_space<vmem>>[vector<16xi32>, vector<16xi32>], vector<16xf32>,
        tpu.vector_store_idx %arg8[%add3A_40, %add3A_910], %get3A_918 : memref<64x129xf32, #tpu.memory_space<vmem>>[vector<16xi32>, vector<16xi32>], vector<16xf32>,
        tpu.vector_store_idx %arg8[%add3A_43, %add3A_910], %get3A_921 : memref<64x129xf32, #tpu.memory_space<vmem>>[vector<16xi32>, vector<16xi32>], vector<16xf32>,
      }
      %scan3A_472 = arith.constant 128 : i32
      %jit3A_473 = arith.constant 4 : i32
      %div3A_474 = arith.divsi %add3A_378, %jit3A_473 : i32
      %sign3A_475 = arith.constant 0 : i32
      %sign3A_476 = arith.cmpi sgt, %add3A_378, %sign3A_475 : i32
      %sign3A_477 = arith.extui %sign3A_476 : i1 to i32
      %sign3A_478 = arith.constant 0 : i32
      %sign3A_479 = arith.cmpi slt, %add3A_378, %sign3A_478 : i32
      %sign3A_480 = arith.extui %sign3A_479 : i1 to i32
      %sign3A_481 = arith.subi %sign3A_477, %sign3A_480 : i32
      %sign3A_482 = arith.constant 0 : i32
      %sign3A_483 = arith.cmpi sgt, %jit3A_473, %sign3A_482 : i32
      %sign3A_484 = arith.extui %sign3A_483 : i1 to i32
      %sign3A_485 = arith.constant 0 : i32
      %sign3A_486 = arith.cmpi slt, %jit3A_473, %sign3A_485 : i32
      %sign3A_487 = arith.extui %sign3A_486 : i1 to i32
      %sign3A_488 = arith.subi %sign3A_484, %sign3A_487 : i32
      %ne3A_489 = arith.cmpi ne, %sign3A_481, %sign3A_488 : i32
      %rem3A_490 = arith.remsi %add3A_378, %jit3A_473 : i32
      %ne3A_491 = arith.constant 0 : i32
      %ne3A_492 = arith.cmpi ne, %rem3A_490, %ne3A_491 : i32
      %and3A_493 = arith.andi %ne3A_489, %ne3A_492 : i1
      %sub3A_494 = arith.constant 1 : i32
      %sub3A_495 = arith.subi %div3A_474, %sub3A_494 : i32
      %select_n3A_496 = arith.select %and3A_493, %sub3A_495, %div3A_474 : i32
      %jit3A_497 = arith.constant 4 : i32
      %eq3A_498 = arith.constant 0 : i32
      %eq3A_499 = arith.cmpi eq, %jit3A_497, %eq3A_498 : i32
      %jit3A_500 = arith.constant 1 : i32
      %select_n3A_501 = arith.select %eq3A_499, %jit3A_500, %jit3A_497 : i32
      %rem3A_502 = arith.remsi %add3A_378, %select_n3A_501 : i32
      %ne3A_503 = arith.constant 0 : i32
      %ne3A_504 = arith.cmpi ne, %rem3A_502, %ne3A_503 : i32
      %lt3A_505 = arith.constant 0 : i32
      %lt3A_506 = arith.cmpi slt, %rem3A_502, %lt3A_505 : i32
      %lt3A_507 = arith.constant 0 : i32
      %lt3A_508 = arith.cmpi slt, %select_n3A_501, %lt3A_507 : i32
      %ne3A_509 = arith.xori %lt3A_506, %lt3A_508 : i1
      %and3A_510 = arith.andi %ne3A_509, %ne3A_504 : i1
      %add3A_511 = arith.addi %rem3A_502, %select_n3A_501 : i32
      %select_n3A_512 = arith.select %and3A_510, %add3A_511, %rem3A_502 : i32
      %mul3A_513 = arith.constant 4 : i32
      %mul3A_514 = arith.muli %add3A, %mul3A_513 : i32
      %add3A_515 = arith.addi %mul3A_514, %select_n3A_512 : i32
      %mul3A_516 = arith.constant 4 : i32
      %mul3A_517 = arith.muli %add3A, %mul3A_516 : i32
      %add3A_518 = arith.addi %mul3A_517, %select_n3A_512 : i32
      %mul3A_519 = arith.constant 4 : i32
      %mul3A_520 = arith.muli %add3A, %mul3A_519 : i32
      %add3A_521 = arith.addi %mul3A_520, %select_n3A_512 : i32
      %mul3A_522 = arith.constant 4 : i32
      %mul3A_523 = arith.muli %add3A, %mul3A_522 : i32
      %add3A_524 = arith.addi %mul3A_523, %select_n3A_512 : i32
      %mul3A_525 = arith.constant 4 : i32
      %mul3A_526 = arith.muli %add3A, %mul3A_525 : i32
      %add3A_527 = arith.addi %mul3A_526, %select_n3A_512 : i32
      %mul3A_528 = arith.constant 4 : i32
      %mul3A_529 = arith.muli %add3A, %mul3A_528 : i32
      %add3A_530 = arith.addi %mul3A_529, %select_n3A_512 : i32
      %mul3A_531 = arith.constant 4 : i32
      %mul3A_532 = arith.muli %add3A, %mul3A_531 : i32
      %add3A_533 = arith.addi %mul3A_532, %select_n3A_512 : i32
      %mul3A_534 = arith.constant 4 : i32
      %mul3A_535 = arith.muli %add3A, %mul3A_534 : i32
      %add3A_536 = arith.addi %mul3A_535, %select_n3A_512 : i32
      %dma_start3A_537 = arith.constant 0 : i32
      %dma_start3A_538 = arith.constant 0 : i32
      %dma_start3A_539 = arith.constant 0 : i32
      %dma_start3A_540 = tpu.memref_slice %arg8[%dma_start3A_538, %dma_start3A_539] : memref<64x129xf32, #tpu.memory_space<vmem>> -> memref<8x128xf32, #tpu.memory_space<vmem>>
      %dma_start3A_541 = arith.constant 0 : i32
      %dma_start3A_542 = arith.constant 0 : i32
      %dma_start3A_543 = tpu.memref_slice %arg4[%select_n3A_496, %dma_start3A_537, %add3A_515, %dma_start3A_541, %dma_start3A_542] : memref<50x8x128x8x128xf32, #tpu.memory_space<hbm>> -> memref<1x1x1x8x128xf32, #tpu.memory_space<hbm>>
      %dma_start3A_544 = tpu.memref_squeeze %dma_start3A_543 : memref<1x1x1x8x128xf32, #tpu.memory_space<hbm>> -> memref<8x128xf32, #tpu.memory_space<hbm>>
      %dma_start3A_545 = arith.constant 0 : i32
      %dma_start3A_546 = arith.constant 0 : i32
      %dma_start3A_547 = tpu.memref_slice %arg4[%select_n3A_496, %dma_start3A_537, %add3A_515, %dma_start3A_545, %dma_start3A_546] : memref<50x8x128x8x128xf32, #tpu.memory_space<hbm>> -> memref<1x1x1x8x128xf32, #tpu.memory_space<hbm>>
      %dma_start3A_548 = tpu.memref_squeeze %dma_start3A_547 : memref<1x1x1x8x128xf32, #tpu.memory_space<hbm>> -> memref<8x128xf32, #tpu.memory_space<hbm>>
      %dma_start3A_549 = arith.constant 0 : i32
      %dma_start3A_550 = arith.constant 0 : i32
      %dma_start3A_551 = tpu.memref_slice %arg8[%dma_start3A_549, %dma_start3A_550] : memref<64x129xf32, #tpu.memory_space<vmem>> -> memref<8x128xf32, #tpu.memory_space<vmem>>
      tpu.enqueue_dma source(%dma_start3A_551 : memref<8x128xf32, #tpu.memory_space<vmem>>) target(%dma_start3A_548 : memref<8x128xf32, #tpu.memory_space<hbm>>) target_semaphore(%arg12 : memref<!tpu.dma_semaphore, #tpu.memory_space<semaphore_mem>>)
      %dma_start3A_552 = arith.constant 1 : i32
      %dma_start3A_553 = arith.constant 8 : i32
      %dma_start3A_554 = arith.constant 0 : i32
      %dma_start3A_555 = tpu.memref_slice %arg8[%dma_start3A_553, %dma_start3A_554] : memref<64x129xf32, #tpu.memory_space<vmem>> -> memref<8x128xf32, #tpu.memory_space<vmem>>
      %dma_start3A_556 = arith.constant 0 : i32
      %dma_start3A_557 = arith.constant 0 : i32
      %dma_start3A_558 = tpu.memref_slice %arg4[%select_n3A_496, %dma_start3A_552, %add3A_518, %dma_start3A_556, %dma_start3A_557] : memref<50x8x128x8x128xf32, #tpu.memory_space<hbm>> -> memref<1x1x1x8x128xf32, #tpu.memory_space<hbm>>
      %dma_start3A_559 = tpu.memref_squeeze %dma_start3A_558 : memref<1x1x1x8x128xf32, #tpu.memory_space<hbm>> -> memref<8x128xf32, #tpu.memory_space<hbm>>
      %dma_start3A_560 = arith.constant 0 : i32
      %dma_start3A_561 = arith.constant 0 : i32
      %dma_start3A_562 = tpu.memref_slice %arg4[%select_n3A_496, %dma_start3A_552, %add3A_518, %dma_start3A_560, %dma_start3A_561] : memref<50x8x128x8x128xf32, #tpu.memory_space<hbm>> -> memref<1x1x1x8x128xf32, #tpu.memory_space<hbm>>
      %dma_start3A_563 = tpu.memref_squeeze %dma_start3A_562 : memref<1x1x1x8x128xf32, #tpu.memory_space<hbm>> -> memref<8x128xf32, #tpu.memory_space<hbm>>
      %dma_start3A_564 = arith.constant 8 : i32
      %dma_start3A_565 = arith.constant 0 : i32
      %dma_start3A_566 = tpu.memref_slice %arg8[%dma_start3A_564, %dma_start3A_565] : memref<64x129xf32, #tpu.memory_space<vmem>> -> memref<8x128xf32, #tpu.memory_space<vmem>>
      tpu.enqueue_dma source(%dma_start3A_566 : memref<8x128xf32, #tpu.memory_space<vmem>>) target(%dma_start3A_563 : memref<8x128xf32, #tpu.memory_space<hbm>>) target_semaphore(%arg12 : memref<!tpu.dma_semaphore, #tpu.memory_space<semaphore_mem>>)
      %dma_start3A_567 = arith.constant 2 : i32
      %dma_start3A_568 = arith.constant 16 : i32
      %dma_start3A_569 = arith.constant 0 : i32
      %dma_start3A_570 = tpu.memref_slice %arg8[%dma_start3A_568, %dma_start3A_569] : memref<64x129xf32, #tpu.memory_space<vmem>> -> memref<8x128xf32, #tpu.memory_space<vmem>>
      %dma_start3A_571 = arith.constant 0 : i32
      %dma_start3A_572 = arith.constant 0 : i32
      %dma_start3A_573 = tpu.memref_slice %arg4[%select_n3A_496, %dma_start3A_567, %add3A_521, %dma_start3A_571, %dma_start3A_572] : memref<50x8x128x8x128xf32, #tpu.memory_space<hbm>> -> memref<1x1x1x8x128xf32, #tpu.memory_space<hbm>>
      %dma_start3A_574 = tpu.memref_squeeze %dma_start3A_573 : memref<1x1x1x8x128xf32, #tpu.memory_space<hbm>> -> memref<8x128xf32, #tpu.memory_space<hbm>>
      %dma_start3A_575 = arith.constant 0 : i32
      %dma_start3A_576 = arith.constant 0 : i32
      %dma_start3A_577 = tpu.memref_slice %arg4[%select_n3A_496, %dma_start3A_567, %add3A_521, %dma_start3A_575, %dma_start3A_576] : memref<50x8x128x8x128xf32, #tpu.memory_space<hbm>> -> memref<1x1x1x8x128xf32, #tpu.memory_space<hbm>>
      %dma_start3A_578 = tpu.memref_squeeze %dma_start3A_577 : memref<1x1x1x8x128xf32, #tpu.memory_space<hbm>> -> memref<8x128xf32, #tpu.memory_space<hbm>>
      %dma_start3A_579 = arith.constant 16 : i32
      %dma_start3A_580 = arith.constant 0 : i32
      %dma_start3A_581 = tpu.memref_slice %arg8[%dma_start3A_579, %dma_start3A_580] : memref<64x129xf32, #tpu.memory_space<vmem>> -> memref<8x128xf32, #tpu.memory_space<vmem>>
      tpu.enqueue_dma source(%dma_start3A_581 : memref<8x128xf32, #tpu.memory_space<vmem>>) target(%dma_start3A_578 : memref<8x128xf32, #tpu.memory_space<hbm>>) target_semaphore(%arg12 : memref<!tpu.dma_semaphore, #tpu.memory_space<semaphore_mem>>)
      %dma_start3A_582 = arith.constant 3 : i32
      %dma_start3A_583 = arith.constant 24 : i32
      %dma_start3A_584 = arith.constant 0 : i32
      %dma_start3A_585 = tpu.memref_slice %arg8[%dma_start3A_583, %dma_start3A_584] : memref<64x129xf32, #tpu.memory_space<vmem>> -> memref<8x128xf32, #tpu.memory_space<vmem>>
      %dma_start3A_586 = arith.constant 0 : i32
      %dma_start3A_587 = arith.constant 0 : i32
      %dma_start3A_588 = tpu.memref_slice %arg4[%select_n3A_496, %dma_start3A_582, %add3A_524, %dma_start3A_586, %dma_start3A_587] : memref<50x8x128x8x128xf32, #tpu.memory_space<hbm>> -> memref<1x1x1x8x128xf32, #tpu.memory_space<hbm>>
      %dma_start3A_589 = tpu.memref_squeeze %dma_start3A_588 : memref<1x1x1x8x128xf32, #tpu.memory_space<hbm>> -> memref<8x128xf32, #tpu.memory_space<hbm>>
      %dma_start3A_590 = arith.constant 0 : i32
      %dma_start3A_591 = arith.constant 0 : i32
      %dma_start3A_592 = tpu.memref_slice %arg4[%select_n3A_496, %dma_start3A_582, %add3A_524, %dma_start3A_590, %dma_start3A_591] : memref<50x8x128x8x128xf32, #tpu.memory_space<hbm>> -> memref<1x1x1x8x128xf32, #tpu.memory_space<hbm>>
      %dma_start3A_593 = tpu.memref_squeeze %dma_start3A_592 : memref<1x1x1x8x128xf32, #tpu.memory_space<hbm>> -> memref<8x128xf32, #tpu.memory_space<hbm>>
      %dma_start3A_594 = arith.constant 24 : i32
      %dma_start3A_595 = arith.constant 0 : i32
      %dma_start3A_596 = tpu.memref_slice %arg8[%dma_start3A_594, %dma_start3A_595] : memref<64x129xf32, #tpu.memory_space<vmem>> -> memref<8x128xf32, #tpu.memory_space<vmem>>
      tpu.enqueue_dma source(%dma_start3A_596 : memref<8x128xf32, #tpu.memory_space<vmem>>) target(%dma_start3A_593 : memref<8x128xf32, #tpu.memory_space<hbm>>) target_semaphore(%arg12 : memref<!tpu.dma_semaphore, #tpu.memory_space<semaphore_mem>>)
      %dma_start3A_597 = arith.constant 4 : i32
      %dma_start3A_598 = arith.constant 32 : i32
      %dma_start3A_599 = arith.constant 0 : i32
      %dma_start3A_600 = tpu.memref_slice %arg8[%dma_start3A_598, %dma_start3A_599] : memref<64x129xf32, #tpu.memory_space<vmem>> -> memref<8x128xf32, #tpu.memory_space<vmem>>
      %dma_start3A_601 = arith.constant 0 : i32
      %dma_start3A_602 = arith.constant 0 : i32
      %dma_start3A_603 = tpu.memref_slice %arg4[%select_n3A_496, %dma_start3A_597, %add3A_527, %dma_start3A_601, %dma_start3A_602] : memref<50x8x128x8x128xf32, #tpu.memory_space<hbm>> -> memref<1x1x1x8x128xf32, #tpu.memory_space<hbm>>
      %dma_start3A_604 = tpu.memref_squeeze %dma_start3A_603 : memref<1x1x1x8x128xf32, #tpu.memory_space<hbm>> -> memref<8x128xf32, #tpu.memory_space<hbm>>
      %dma_start3A_605 = arith.constant 0 : i32
      %dma_start3A_606 = arith.constant 0 : i32
      %dma_start3A_607 = tpu.memref_slice %arg4[%select_n3A_496, %dma_start3A_597, %add3A_527, %dma_start3A_605, %dma_start3A_606] : memref<50x8x128x8x128xf32, #tpu.memory_space<hbm>> -> memref<1x1x1x8x128xf32, #tpu.memory_space<hbm>>
      %dma_start3A_608 = tpu.memref_squeeze %dma_start3A_607 : memref<1x1x1x8x128xf32, #tpu.memory_space<hbm>> -> memref<8x128xf32, #tpu.memory_space<hbm>>
      %dma_start3A_609 = arith.constant 32 : i32
      %dma_start3A_610 = arith.constant 0 : i32
      %dma_start3A_611 = tpu.memref_slice %arg8[%dma_start3A_609, %dma_start3A_610] : memref<64x129xf32, #tpu.memory_space<vmem>> -> memref<8x128xf32, #tpu.memory_space<vmem>>
      tpu.enqueue_dma source(%dma_start3A_611 : memref<8x128xf32, #tpu.memory_space<vmem>>) target(%dma_start3A_608 : memref<8x128xf32, #tpu.memory_space<hbm>>) target_semaphore(%arg12 : memref<!tpu.dma_semaphore, #tpu.memory_space<semaphore_mem>>)
      %dma_start3A_612 = arith.constant 5 : i32
      %dma_start3A_613 = arith.constant 40 : i32
      %dma_start3A_614 = arith.constant 0 : i32
      %dma_start3A_615 = tpu.memref_slice %arg8[%dma_start3A_613, %dma_start3A_614] : memref<64x129xf32, #tpu.memory_space<vmem>> -> memref<8x128xf32, #tpu.memory_space<vmem>>
      %dma_start3A_616 = arith.constant 0 : i32
      %dma_start3A_617 = arith.constant 0 : i32
      %dma_start3A_618 = tpu.memref_slice %arg4[%select_n3A_496, %dma_start3A_612, %add3A_530, %dma_start3A_616, %dma_start3A_617] : memref<50x8x128x8x128xf32, #tpu.memory_space<hbm>> -> memref<1x1x1x8x128xf32, #tpu.memory_space<hbm>>
      %dma_start3A_619 = tpu.memref_squeeze %dma_start3A_618 : memref<1x1x1x8x128xf32, #tpu.memory_space<hbm>> -> memref<8x128xf32, #tpu.memory_space<hbm>>
      %dma_start3A_620 = arith.constant 0 : i32
      %dma_start3A_621 = arith.constant 0 : i32
      %dma_start3A_622 = tpu.memref_slice %arg4[%select_n3A_496, %dma_start3A_612, %add3A_530, %dma_start3A_620, %dma_start3A_621] : memref<50x8x128x8x128xf32, #tpu.memory_space<hbm>> -> memref<1x1x1x8x128xf32, #tpu.memory_space<hbm>>
      %dma_start3A_623 = tpu.memref_squeeze %dma_start3A_622 : memref<1x1x1x8x128xf32, #tpu.memory_space<hbm>> -> memref<8x128xf32, #tpu.memory_space<hbm>>
      %dma_start3A_624 = arith.constant 40 : i32
      %dma_start3A_625 = arith.constant 0 : i32
      %dma_start3A_626 = tpu.memref_slice %arg8[%dma_start3A_624, %dma_start3A_625] : memref<64x129xf32, #tpu.memory_space<vmem>> -> memref<8x128xf32, #tpu.memory_space<vmem>>
      tpu.enqueue_dma source(%dma_start3A_626 : memref<8x128xf32, #tpu.memory_space<vmem>>) target(%dma_start3A_623 : memref<8x128xf32, #tpu.memory_space<hbm>>) target_semaphore(%arg12 : memref<!tpu.dma_semaphore, #tpu.memory_space<semaphore_mem>>)
      %dma_start3A_627 = arith.constant 6 : i32
      %dma_start3A_628 = arith.constant 48 : i32
      %dma_start3A_629 = arith.constant 0 : i32
      %dma_start3A_630 = tpu.memref_slice %arg8[%dma_start3A_628, %dma_start3A_629] : memref<64x129xf32, #tpu.memory_space<vmem>> -> memref<8x128xf32, #tpu.memory_space<vmem>>
      %dma_start3A_631 = arith.constant 0 : i32
      %dma_start3A_632 = arith.constant 0 : i32
      %dma_start3A_633 = tpu.memref_slice %arg4[%select_n3A_496, %dma_start3A_627, %add3A_533, %dma_start3A_631, %dma_start3A_632] : memref<50x8x128x8x128xf32, #tpu.memory_space<hbm>> -> memref<1x1x1x8x128xf32, #tpu.memory_space<hbm>>
      %dma_start3A_634 = tpu.memref_squeeze %dma_start3A_633 : memref<1x1x1x8x128xf32, #tpu.memory_space<hbm>> -> memref<8x128xf32, #tpu.memory_space<hbm>>
      %dma_start3A_635 = arith.constant 0 : i32
      %dma_start3A_636 = arith.constant 0 : i32
      %dma_start3A_637 = tpu.memref_slice %arg4[%select_n3A_496, %dma_start3A_627, %add3A_533, %dma_start3A_635, %dma_start3A_636] : memref<50x8x128x8x128xf32, #tpu.memory_space<hbm>> -> memref<1x1x1x8x128xf32, #tpu.memory_space<hbm>>
      %dma_start3A_638 = tpu.memref_squeeze %dma_start3A_637 : memref<1x1x1x8x128xf32, #tpu.memory_space<hbm>> -> memref<8x128xf32, #tpu.memory_space<hbm>>
      %dma_start3A_639 = arith.constant 48 : i32
      %dma_start3A_640 = arith.constant 0 : i32
      %dma_start3A_641 = tpu.memref_slice %arg8[%dma_start3A_639, %dma_start3A_640] : memref<64x129xf32, #tpu.memory_space<vmem>> -> memref<8x128xf32, #tpu.memory_space<vmem>>
      tpu.enqueue_dma source(%dma_start3A_641 : memref<8x128xf32, #tpu.memory_space<vmem>>) target(%dma_start3A_638 : memref<8x128xf32, #tpu.memory_space<hbm>>) target_semaphore(%arg12 : memref<!tpu.dma_semaphore, #tpu.memory_space<semaphore_mem>>)
      %dma_start3A_642 = arith.constant 7 : i32
      %dma_start3A_643 = arith.constant 56 : i32
      %dma_start3A_644 = arith.constant 0 : i32
      %dma_start3A_645 = tpu.memref_slice %arg8[%dma_start3A_643, %dma_start3A_644] : memref<64x129xf32, #tpu.memory_space<vmem>> -> memref<8x128xf32, #tpu.memory_space<vmem>>
      %dma_start3A_646 = arith.constant 0 : i32
      %dma_start3A_647 = arith.constant 0 : i32
      %dma_start3A_648 = tpu.memref_slice %arg4[%select_n3A_496, %dma_start3A_642, %add3A_536, %dma_start3A_646, %dma_start3A_647] : memref<50x8x128x8x128xf32, #tpu.memory_space<hbm>> -> memref<1x1x1x8x128xf32, #tpu.memory_space<hbm>>
      %dma_start3A_649 = tpu.memref_squeeze %dma_start3A_648 : memref<1x1x1x8x128xf32, #tpu.memory_space<hbm>> -> memref<8x128xf32, #tpu.memory_space<hbm>>
      %dma_start3A_650 = arith.constant 0 : i32
      %dma_start3A_651 = arith.constant 0 : i32
      %dma_start3A_652 = tpu.memref_slice %arg4[%select_n3A_496, %dma_start3A_642, %add3A_536, %dma_start3A_650, %dma_start3A_651] : memref<50x8x128x8x128xf32, #tpu.memory_space<hbm>> -> memref<1x1x1x8x128xf32, #tpu.memory_space<hbm>>
      %dma_start3A_653 = tpu.memref_squeeze %dma_start3A_652 : memref<1x1x1x8x128xf32, #tpu.memory_space<hbm>> -> memref<8x128xf32, #tpu.memory_space<hbm>>
      %dma_start3A_654 = arith.constant 56 : i32
      %dma_start3A_655 = arith.constant 0 : i32
      %dma_start3A_656 = tpu.memref_slice %arg8[%dma_start3A_654, %dma_start3A_655] : memref<64x129xf32, #tpu.memory_space<vmem>> -> memref<8x128xf32, #tpu.memory_space<vmem>>
      tpu.enqueue_dma source(%dma_start3A_656 : memref<8x128xf32, #tpu.memory_space<vmem>>) target(%dma_start3A_653 : memref<8x128xf32, #tpu.memory_space<hbm>>) target_semaphore(%arg12 : memref<!tpu.dma_semaphore, #tpu.memory_space<semaphore_mem>>)
      %mul3A_657 = arith.constant 2 : i32
      %mul3A_658 = arith.muli %scan3A_374, %mul3A_657 : i32
      %add3A_659 = arith.constant 1 : i32
      %add3A_660 = arith.addi %mul3A_658, %add3A_659 : i32
      %lt3A_661 = arith.constant 99 : i32
      %lt3A_662 = arith.cmpi slt, %scan3A_374, %lt3A_661 : i32
      %convert_element_type3A_663 = arith.extui %lt3A_662 : i1 to i32
      %cond3A_664 = arith.constant 0 : i32
      %cond3A_665 = arith.cmpi ne, %convert_element_type3A_663, %cond3A_664 : i32
      scf.if %cond3A_665 {
        %add3A_908 = arith.constant 1 : i32
        %add3A_909 = arith.addi %add3A_660, %add3A_908 : i32
        %jit3A_910 = arith.constant 4 : i32
        %div3A_911 = arith.divsi %add3A_909, %jit3A_910 : i32
        %sign3A_912 = arith.constant 0 : i32
        %sign3A_913 = arith.cmpi sgt, %add3A_909, %sign3A_912 : i32
        %sign3A_914 = arith.extui %sign3A_913 : i1 to i32
        %sign3A_915 = arith.constant 0 : i32
        %sign3A_916 = arith.cmpi slt, %add3A_909, %sign3A_915 : i32
        %sign3A_917 = arith.extui %sign3A_916 : i1 to i32
        %sign3A_918 = arith.subi %sign3A_914, %sign3A_917 : i32
        %sign3A_919 = arith.constant 0 : i32
        %sign3A_920 = arith.cmpi sgt, %jit3A_910, %sign3A_919 : i32
        %sign3A_921 = arith.extui %sign3A_920 : i1 to i32
        %sign3A_922 = arith.constant 0 : i32
        %sign3A_923 = arith.cmpi slt, %jit3A_910, %sign3A_922 : i32
        %sign3A_924 = arith.extui %sign3A_923 : i1 to i32
        %sign3A_925 = arith.subi %sign3A_921, %sign3A_924 : i32
        %ne3A_926 = arith.cmpi ne, %sign3A_918, %sign3A_925 : i32
        %rem3A_927 = arith.remsi %add3A_909, %jit3A_910 : i32
        %ne3A_928 = arith.constant 0 : i32
        %ne3A_929 = arith.cmpi ne, %rem3A_927, %ne3A_928 : i32
        %and3A_930 = arith.andi %ne3A_926, %ne3A_929 : i1
        %sub3A_931 = arith.constant 1 : i32
        %sub3A_932 = arith.subi %div3A_911, %sub3A_931 : i32
        %select_n3A_933 = arith.select %and3A_930, %sub3A_932, %div3A_911 : i32
        %jit3A_934 = arith.constant 4 : i32
        %eq3A_935 = arith.constant 0 : i32
        %eq3A_936 = arith.cmpi eq, %jit3A_934, %eq3A_935 : i32
        %jit3A_937 = arith.constant 1 : i32
        %select_n3A_938 = arith.select %eq3A_936, %jit3A_937, %jit3A_934 : i32
        %rem3A_939 = arith.remsi %add3A_909, %select_n3A_938 : i32
        %ne3A_940 = arith.constant 0 : i32
        %ne3A_941 = arith.cmpi ne, %rem3A_939, %ne3A_940 : i32
        %lt3A_942 = arith.constant 0 : i32
        %lt3A_943 = arith.cmpi slt, %rem3A_939, %lt3A_942 : i32
        %lt3A_944 = arith.constant 0 : i32
        %lt3A_945 = arith.cmpi slt, %select_n3A_938, %lt3A_944 : i32
        %ne3A_946 = arith.xori %lt3A_943, %lt3A_945 : i1
        %and3A_947 = arith.andi %ne3A_946, %ne3A_941 : i1
        %add3A_948 = arith.addi %rem3A_939, %select_n3A_938 : i32
        %select_n3A_949 = arith.select %and3A_947, %add3A_948, %rem3A_939 : i32
        %mul3A_950 = arith.constant 128 : i32
        %mul3A_951 = arith.muli %select_n3A_949, %mul3A_950 : i32
        %dma_start3A_952 = tpu.memref_slice %arg5[%select_n3A_933, %mul3A_951] : memref<50x512xi32, #tpu.memory_space<vmem>> -> memref<1x128xi32, #tpu.memory_space<vmem>>
        %dma_start3A_953 = tpu.memref_squeeze %dma_start3A_952 : memref<1x128xi32, #tpu.memory_space<vmem>> -> memref<128xi32, #tpu.memory_space<vmem>>
        %dma_start3A_954 = arith.constant 0 : i32
        %dma_start3A_955 = arith.constant 0 : i32
        %dma_start3A_956 = tpu.memref_slice %arg3[%dma_start3A_954, %dma_start3A_955] : memref<1000000x64xf32, #tpu.memory_space<hbm>> -> memref<1000000x64xf32, #tpu.memory_space<hbm>>
        tpu.enqueue_indirect_dma source(%dma_start3A_956 : memref<1000000x64xf32, #tpu.memory_space<hbm>>) target(%arg6 : memref<128x64xf32, #tpu.memory_space<vmem>>) offsets(%dma_start3A_953 : memref<128xi32, #tpu.memory_space<vmem>>) semaphore(%arg10 : memref<!tpu.dma_semaphore, #tpu.memory_space<semaphore_mem>>)
      } else {
      }
      %jit3A_666 = arith.constant 4 : i32
      %div3A_667 = arith.divsi %add3A_660, %jit3A_666 : i32
      %sign3A_668 = arith.constant 0 : i32
      %sign3A_669 = arith.cmpi sgt, %add3A_660, %sign3A_668 : i32
      %sign3A_670 = arith.extui %sign3A_669 : i1 to i32
      %sign3A_671 = arith.constant 0 : i32
      %sign3A_672 = arith.cmpi slt, %add3A_660, %sign3A_671 : i32
      %sign3A_673 = arith.extui %sign3A_672 : i1 to i32
      %sign3A_674 = arith.subi %sign3A_670, %sign3A_673 : i32
      %sign3A_675 = arith.constant 0 : i32
      %sign3A_676 = arith.cmpi sgt, %jit3A_666, %sign3A_675 : i32
      %sign3A_677 = arith.extui %sign3A_676 : i1 to i32
      %sign3A_678 = arith.constant 0 : i32
      %sign3A_679 = arith.cmpi slt, %jit3A_666, %sign3A_678 : i32
      %sign3A_680 = arith.extui %sign3A_679 : i1 to i32
      %sign3A_681 = arith.subi %sign3A_677, %sign3A_680 : i32
      %ne3A_682 = arith.cmpi ne, %sign3A_674, %sign3A_681 : i32
      %rem3A_683 = arith.remsi %add3A_660, %jit3A_666 : i32
      %ne3A_684 = arith.constant 0 : i32
      %ne3A_685 = arith.cmpi ne, %rem3A_683, %ne3A_684 : i32
      %and3A_686 = arith.andi %ne3A_682, %ne3A_685 : i1
      %sub3A_687 = arith.constant 1 : i32
      %sub3A_688 = arith.subi %div3A_667, %sub3A_687 : i32
      %select_n3A_689 = arith.select %and3A_686, %sub3A_688, %div3A_667 : i32
      %jit3A_690 = arith.constant 4 : i32
      %eq3A_691 = arith.constant 0 : i32
      %eq3A_692 = arith.cmpi eq, %jit3A_690, %eq3A_691 : i32
      %jit3A_693 = arith.constant 1 : i32
      %select_n3A_694 = arith.select %eq3A_692, %jit3A_693, %jit3A_690 : i32
      %rem3A_695 = arith.remsi %add3A_660, %select_n3A_694 : i32
      %ne3A_696 = arith.constant 0 : i32
      %ne3A_697 = arith.cmpi ne, %rem3A_695, %ne3A_696 : i32
      %lt3A_698 = arith.constant 0 : i32
      %lt3A_699 = arith.cmpi slt, %rem3A_695, %lt3A_698 : i32
      %lt3A_700 = arith.constant 0 : i32
      %lt3A_701 = arith.cmpi slt, %select_n3A_694, %lt3A_700 : i32
      %ne3A_702 = arith.xori %lt3A_699, %lt3A_701 : i1
      %and3A_703 = arith.andi %ne3A_702, %ne3A_697 : i1
      %add3A_704 = arith.addi %rem3A_695, %select_n3A_694 : i32
      %select_n3A_705 = arith.select %and3A_703, %add3A_704, %rem3A_695 : i32
      %mul3A_706 = arith.constant 128 : i32
      %mul3A_707 = arith.muli %select_n3A_705, %mul3A_706 : i32
      %dma_wait3A_708 = tpu.memref_slice %arg5[%select_n3A_689, %mul3A_707] : memref<50x512xi32, #tpu.memory_space<vmem>> -> memref<1x128xi32, #tpu.memory_space<vmem>>
      %dma_wait3A_709 = tpu.memref_squeeze %dma_wait3A_708 : memref<1x128xi32, #tpu.memory_space<vmem>> -> memref<128xi32, #tpu.memory_space<vmem>>
      %dma_wait3A_710 = arith.constant 0 : i32
      %dma_wait3A_711 = arith.constant 0 : i32
      %dma_wait3A_712 = tpu.memref_slice %arg3[%dma_wait3A_710, %dma_wait3A_711] : memref<1000000x64xf32, #tpu.memory_space<hbm>> -> memref<1000000x64xf32, #tpu.memory_space<hbm>>
      tpu.wait_indirect_dma semaphore(%arg11 : memref<!tpu.dma_semaphore, #tpu.memory_space<semaphore_mem>>) src(%dma_wait3A_712 : memref<1000000x64xf32, #tpu.memory_space<hbm>>) dst(%arg7 : memref<128x64xf32, #tpu.memory_space<vmem>>)
      %ge3A_713 = arith.constant 1 : i32
      %ge3A_714 = arith.cmpi sge, %scan3A_374, %ge3A_713 : i32
      %convert_element_type3A_715 = arith.extui %ge3A_714 : i1 to i32
      %cond3A_716 = arith.constant 0 : i32
      %cond3A_717 = arith.cmpi ne, %convert_element_type3A_715, %cond3A_716 : i32
      scf.if %cond3A_717 {
        %sub3A_908 = arith.constant 2 : i32
        %sub3A_909 = arith.subi %add3A_660, %sub3A_908 : i32
        %jit3A_910 = arith.constant 4 : i32
        %div3A_911 = arith.divsi %sub3A_909, %jit3A_910 : i32
        %sign3A_912 = arith.constant 0 : i32
        %sign3A_913 = arith.cmpi sgt, %sub3A_909, %sign3A_912 : i32
        %sign3A_914 = arith.extui %sign3A_913 : i1 to i32
        %sign3A_915 = arith.constant 0 : i32
        %sign3A_916 = arith.cmpi slt, %sub3A_909, %sign3A_915 : i32
        %sign3A_917 = arith.extui %sign3A_916 : i1 to i32
        %sign3A_918 = arith.subi %sign3A_914, %sign3A_917 : i32
        %sign3A_919 = arith.constant 0 : i32
        %sign3A_920 = arith.cmpi sgt, %jit3A_910, %sign3A_919 : i32
        %sign3A_921 = arith.extui %sign3A_920 : i1 to i32
        %sign3A_922 = arith.constant 0 : i32
        %sign3A_923 = arith.cmpi slt, %jit3A_910, %sign3A_922 : i32
        %sign3A_924 = arith.extui %sign3A_923 : i1 to i32
        %sign3A_925 = arith.subi %sign3A_921, %sign3A_924 : i32
        %ne3A_926 = arith.cmpi ne, %sign3A_918, %sign3A_925 : i32
        %rem3A_927 = arith.remsi %sub3A_909, %jit3A_910 : i32
        %ne3A_928 = arith.constant 0 : i32
        %ne3A_929 = arith.cmpi ne, %rem3A_927, %ne3A_928 : i32
        %and3A_930 = arith.andi %ne3A_926, %ne3A_929 : i1
        %sub3A_931 = arith.constant 1 : i32
        %sub3A_932 = arith.subi %div3A_911, %sub3A_931 : i32
        %select_n3A_933 = arith.select %and3A_930, %sub3A_932, %div3A_911 : i32
        %jit3A_934 = arith.constant 4 : i32
        %eq3A_935 = arith.constant 0 : i32
        %eq3A_936 = arith.cmpi eq, %jit3A_934, %eq3A_935 : i32
        %jit3A_937 = arith.constant 1 : i32
        %select_n3A_938 = arith.select %eq3A_936, %jit3A_937, %jit3A_934 : i32
        %rem3A_939 = arith.remsi %sub3A_909, %select_n3A_938 : i32
        %ne3A_940 = arith.constant 0 : i32
        %ne3A_941 = arith.cmpi ne, %rem3A_939, %ne3A_940 : i32
        %lt3A_942 = arith.constant 0 : i32
        %lt3A_943 = arith.cmpi slt, %rem3A_939, %lt3A_942 : i32
        %lt3A_944 = arith.constant 0 : i32
        %lt3A_945 = arith.cmpi slt, %select_n3A_938, %lt3A_944 : i32
        %ne3A_946 = arith.xori %lt3A_943, %lt3A_945 : i1
        %and3A_947 = arith.andi %ne3A_946, %ne3A_941 : i1
        %add3A_948 = arith.addi %rem3A_939, %select_n3A_938 : i32
        %select_n3A_949 = arith.select %and3A_947, %add3A_948, %rem3A_939 : i32
        %mul3A_950 = arith.constant 4 : i32
        %mul3A_951 = arith.muli %add3A, %mul3A_950 : i32
        %add3A_952 = arith.addi %mul3A_951, %select_n3A_949 : i32
        %mul3A_953 = arith.constant 4 : i32
        %mul3A_954 = arith.muli %add3A, %mul3A_953 : i32
        %add3A_955 = arith.addi %mul3A_954, %select_n3A_949 : i32
        %mul3A_956 = arith.constant 4 : i32
        %mul3A_957 = arith.muli %add3A, %mul3A_956 : i32
        %add3A_958 = arith.addi %mul3A_957, %select_n3A_949 : i32
        %mul3A_959 = arith.constant 4 : i32
        %mul3A_960 = arith.muli %add3A, %mul3A_959 : i32
        %add3A_961 = arith.addi %mul3A_960, %select_n3A_949 : i32
        %mul3A_962 = arith.constant 4 : i32
        %mul3A_963 = arith.muli %add3A, %mul3A_962 : i32
        %add3A_964 = arith.addi %mul3A_963, %select_n3A_949 : i32
        %mul3A_965 = arith.constant 4 : i32
        %mul3A_966 = arith.muli %add3A, %mul3A_965 : i32
        %add3A_967 = arith.addi %mul3A_966, %select_n3A_949 : i32
        %mul3A_968 = arith.constant 4 : i32
        %mul3A_969 = arith.muli %add3A, %mul3A_968 : i32
        %add3A_970 = arith.addi %mul3A_969, %select_n3A_949 : i32
        %mul3A_971 = arith.constant 4 : i32
        %mul3A_972 = arith.muli %add3A, %mul3A_971 : i32
        %add3A_973 = arith.addi %mul3A_972, %select_n3A_949 : i32
        %dma_wait3A_974 = arith.constant 0 : i32
        %dma_wait3A_975 = arith.constant 0 : i32
        %dma_wait3A_976 = arith.constant 0 : i32
        %dma_wait3A_977 = tpu.memref_slice %arg9[%dma_wait3A_975, %dma_wait3A_976] : memref<64x129xf32, #tpu.memory_space<vmem>> -> memref<8x128xf32, #tpu.memory_space<vmem>>
        %dma_wait3A_978 = arith.constant 0 : i32
        %dma_wait3A_979 = arith.constant 0 : i32
        %dma_wait3A_980 = tpu.memref_slice %arg4[%select_n3A_933, %dma_wait3A_974, %add3A_952, %dma_wait3A_978, %dma_wait3A_979] : memref<50x8x128x8x128xf32, #tpu.memory_space<hbm>> -> memref<1x1x1x8x128xf32, #tpu.memory_space<hbm>>
        %dma_wait3A_981 = tpu.memref_squeeze %dma_wait3A_980 : memref<1x1x1x8x128xf32, #tpu.memory_space<hbm>> -> memref<8x128xf32, #tpu.memory_space<hbm>>
        %dma_wait3A_982 = arith.constant 0 : i32
        %dma_wait3A_983 = arith.constant 0 : i32
        %dma_wait3A_984 = tpu.memref_slice %arg4[%select_n3A_933, %dma_wait3A_974, %add3A_952, %dma_wait3A_982, %dma_wait3A_983] : memref<50x8x128x8x128xf32, #tpu.memory_space<hbm>> -> memref<1x1x1x8x128xf32, #tpu.memory_space<hbm>>
        %dma_wait3A_985 = tpu.memref_squeeze %dma_wait3A_984 : memref<1x1x1x8x128xf32, #tpu.memory_space<hbm>> -> memref<8x128xf32, #tpu.memory_space<hbm>>
        %dma_wait3A_986 = arith.constant 0 : i32
        %dma_wait3A_987 = arith.constant 0 : i32
        %dma_wait3A_988 = tpu.memref_slice %arg9[%dma_wait3A_986, %dma_wait3A_987] : memref<64x129xf32, #tpu.memory_space<vmem>> -> memref<8x128xf32, #tpu.memory_space<vmem>>
        tpu.wait_dma2 semaphore(%arg13 : memref<!tpu.dma_semaphore, #tpu.memory_space<semaphore_mem>>) src(%dma_wait3A_988 : memref<8x128xf32, #tpu.memory_space<vmem>>) dst(%dma_wait3A_985 : memref<8x128xf32, #tpu.memory_space<hbm>>)
        %dma_wait3A_989 = arith.constant 1 : i32
        %dma_wait3A_990 = arith.constant 8 : i32
        %dma_wait3A_991 = arith.constant 0 : i32
        %dma_wait3A_992 = tpu.memref_slice %arg9[%dma_wait3A_990, %dma_wait3A_991] : memref<64x129xf32, #tpu.memory_space<vmem>> -> memref<8x128xf32, #tpu.memory_space<vmem>>
        %dma_wait3A_993 = arith.constant 0 : i32
        %dma_wait3A_994 = arith.constant 0 : i32
        %dma_wait3A_995 = tpu.memref_slice %arg4[%select_n3A_933, %dma_wait3A_989, %add3A_955, %dma_wait3A_993, %dma_wait3A_994] : memref<50x8x128x8x128xf32, #tpu.memory_space<hbm>> -> memref<1x1x1x8x128xf32, #tpu.memory_space<hbm>>
        %dma_wait3A_996 = tpu.memref_squeeze %dma_wait3A_995 : memref<1x1x1x8x128xf32, #tpu.memory_space<hbm>> -> memref<8x128xf32, #tpu.memory_space<hbm>>
        %dma_wait3A_997 = arith.constant 0 : i32
        %dma_wait3A_998 = arith.constant 0 : i32
        %dma_wait3A_999 = tpu.memref_slice %arg4[%select_n3A_933, %dma_wait3A_989, %add3A_955, %dma_wait3A_997, %dma_wait3A_998] : memref<50x8x128x8x128xf32, #tpu.memory_space<hbm>> -> memref<1x1x1x8x128xf32, #tpu.memory_space<hbm>>
        %dma_wait3A_1000 = tpu.memref_squeeze %dma_wait3A_999 : memref<1x1x1x8x128xf32, #tpu.memory_space<hbm>> -> memref<8x128xf32, #tpu.memory_space<hbm>>
        %dma_wait3A_1001 = arith.constant 8 : i32
        %dma_wait3A_1002 = arith.constant 0 : i32
        %dma_wait3A_1003 = tpu.memref_slice %arg9[%dma_wait3A_1001, %dma_wait3A_1002] : memref<64x129xf32, #tpu.memory_space<vmem>> -> memref<8x128xf32, #tpu.memory_space<vmem>>
        tpu.wait_dma2 semaphore(%arg13 : memref<!tpu.dma_semaphore, #tpu.memory_space<semaphore_mem>>) src(%dma_wait3A_1003 : memref<8x128xf32, #tpu.memory_space<vmem>>) dst(%dma_wait3A_1000 : memref<8x128xf32, #tpu.memory_space<hbm>>)
        %dma_wait3A_1004 = arith.constant 2 : i32
        %dma_wait3A_1005 = arith.constant 16 : i32
        %dma_wait3A_1006 = arith.constant 0 : i32
        %dma_wait3A_1007 = tpu.memref_slice %arg9[%dma_wait3A_1005, %dma_wait3A_1006] : memref<64x129xf32, #tpu.memory_space<vmem>> -> memref<8x128xf32, #tpu.memory_space<vmem>>
        %dma_wait3A_1008 = arith.constant 0 : i32
        %dma_wait3A_1009 = arith.constant 0 : i32
        %dma_wait3A_1010 = tpu.memref_slice %arg4[%select_n3A_933, %dma_wait3A_1004, %add3A_958, %dma_wait3A_1008, %dma_wait3A_1009] : memref<50x8x128x8x128xf32, #tpu.memory_space<hbm>> -> memref<1x1x1x8x128xf32, #tpu.memory_space<hbm>>
        %dma_wait3A_1011 = tpu.memref_squeeze %dma_wait3A_1010 : memref<1x1x1x8x128xf32, #tpu.memory_space<hbm>> -> memref<8x128xf32, #tpu.memory_space<hbm>>
        %dma_wait3A_1012 = arith.constant 0 : i32
        %dma_wait3A_1013 = arith.constant 0 : i32
        %dma_wait3A_1014 = tpu.memref_slice %arg4[%select_n3A_933, %dma_wait3A_1004, %add3A_958, %dma_wait3A_1012, %dma_wait3A_1013] : memref<50x8x128x8x128xf32, #tpu.memory_space<hbm>> -> memref<1x1x1x8x128xf32, #tpu.memory_space<hbm>>
        %dma_wait3A_1015 = tpu.memref_squeeze %dma_wait3A_1014 : memref<1x1x1x8x128xf32, #tpu.memory_space<hbm>> -> memref<8x128xf32, #tpu.memory_space<hbm>>
        %dma_wait3A_1016 = arith.constant 16 : i32
        %dma_wait3A_1017 = arith.constant 0 : i32
        %dma_wait3A_1018 = tpu.memref_slice %arg9[%dma_wait3A_1016, %dma_wait3A_1017] : memref<64x129xf32, #tpu.memory_space<vmem>> -> memref<8x128xf32, #tpu.memory_space<vmem>>
        tpu.wait_dma2 semaphore(%arg13 : memref<!tpu.dma_semaphore, #tpu.memory_space<semaphore_mem>>) src(%dma_wait3A_1018 : memref<8x128xf32, #tpu.memory_space<vmem>>) dst(%dma_wait3A_1015 : memref<8x128xf32, #tpu.memory_space<hbm>>)
        %dma_wait3A_1019 = arith.constant 3 : i32
        %dma_wait3A_1020 = arith.constant 24 : i32
        %dma_wait3A_1021 = arith.constant 0 : i32
        %dma_wait3A_1022 = tpu.memref_slice %arg9[%dma_wait3A_1020, %dma_wait3A_1021] : memref<64x129xf32, #tpu.memory_space<vmem>> -> memref<8x128xf32, #tpu.memory_space<vmem>>
        %dma_wait3A_1023 = arith.constant 0 : i32
        %dma_wait3A_1024 = arith.constant 0 : i32
        %dma_wait3A_1025 = tpu.memref_slice %arg4[%select_n3A_933, %dma_wait3A_1019, %add3A_961, %dma_wait3A_1023, %dma_wait3A_1024] : memref<50x8x128x8x128xf32, #tpu.memory_space<hbm>> -> memref<1x1x1x8x128xf32, #tpu.memory_space<hbm>>
        %dma_wait3A_1026 = tpu.memref_squeeze %dma_wait3A_1025 : memref<1x1x1x8x128xf32, #tpu.memory_space<hbm>> -> memref<8x128xf32, #tpu.memory_space<hbm>>
        %dma_wait3A_1027 = arith.constant 0 : i32
        %dma_wait3A_1028 = arith.constant 0 : i32
        %dma_wait3A_1029 = tpu.memref_slice %arg4[%select_n3A_933, %dma_wait3A_1019, %add3A_961, %dma_wait3A_1027, %dma_wait3A_1028] : memref<50x8x128x8x128xf32, #tpu.memory_space<hbm>> -> memref<1x1x1x8x128xf32, #tpu.memory_space<hbm>>
        %dma_wait3A_1030 = tpu.memref_squeeze %dma_wait3A_1029 : memref<1x1x1x8x128xf32, #tpu.memory_space<hbm>> -> memref<8x128xf32, #tpu.memory_space<hbm>>
        %dma_wait3A_1031 = arith.constant 24 : i32
        %dma_wait3A_1032 = arith.constant 0 : i32
        %dma_wait3A_1033 = tpu.memref_slice %arg9[%dma_wait3A_1031, %dma_wait3A_1032] : memref<64x129xf32, #tpu.memory_space<vmem>> -> memref<8x128xf32, #tpu.memory_space<vmem>>
        tpu.wait_dma2 semaphore(%arg13 : memref<!tpu.dma_semaphore, #tpu.memory_space<semaphore_mem>>) src(%dma_wait3A_1033 : memref<8x128xf32, #tpu.memory_space<vmem>>) dst(%dma_wait3A_1030 : memref<8x128xf32, #tpu.memory_space<hbm>>)
        %dma_wait3A_1034 = arith.constant 4 : i32
        %dma_wait3A_1035 = arith.constant 32 : i32
        %dma_wait3A_1036 = arith.constant 0 : i32
        %dma_wait3A_1037 = tpu.memref_slice %arg9[%dma_wait3A_1035, %dma_wait3A_1036] : memref<64x129xf32, #tpu.memory_space<vmem>> -> memref<8x128xf32, #tpu.memory_space<vmem>>
        %dma_wait3A_1038 = arith.constant 0 : i32
        %dma_wait3A_1039 = arith.constant 0 : i32
        %dma_wait3A_1040 = tpu.memref_slice %arg4[%select_n3A_933, %dma_wait3A_1034, %add3A_964, %dma_wait3A_1038, %dma_wait3A_1039] : memref<50x8x128x8x128xf32, #tpu.memory_space<hbm>> -> memref<1x1x1x8x128xf32, #tpu.memory_space<hbm>>
        %dma_wait3A_1041 = tpu.memref_squeeze %dma_wait3A_1040 : memref<1x1x1x8x128xf32, #tpu.memory_space<hbm>> -> memref<8x128xf32, #tpu.memory_space<hbm>>
        %dma_wait3A_1042 = arith.constant 0 : i32
        %dma_wait3A_1043 = arith.constant 0 : i32
        %dma_wait3A_1044 = tpu.memref_slice %arg4[%select_n3A_933, %dma_wait3A_1034, %add3A_964, %dma_wait3A_1042, %dma_wait3A_1043] : memref<50x8x128x8x128xf32, #tpu.memory_space<hbm>> -> memref<1x1x1x8x128xf32, #tpu.memory_space<hbm>>
        %dma_wait3A_1045 = tpu.memref_squeeze %dma_wait3A_1044 : memref<1x1x1x8x128xf32, #tpu.memory_space<hbm>> -> memref<8x128xf32, #tpu.memory_space<hbm>>
        %dma_wait3A_1046 = arith.constant 32 : i32
        %dma_wait3A_1047 = arith.constant 0 : i32
        %dma_wait3A_1048 = tpu.memref_slice %arg9[%dma_wait3A_1046, %dma_wait3A_1047] : memref<64x129xf32, #tpu.memory_space<vmem>> -> memref<8x128xf32, #tpu.memory_space<vmem>>
        tpu.wait_dma2 semaphore(%arg13 : memref<!tpu.dma_semaphore, #tpu.memory_space<semaphore_mem>>) src(%dma_wait3A_1048 : memref<8x128xf32, #tpu.memory_space<vmem>>) dst(%dma_wait3A_1045 : memref<8x128xf32, #tpu.memory_space<hbm>>)
        %dma_wait3A_1049 = arith.constant 5 : i32
        %dma_wait3A_1050 = arith.constant 40 : i32
        %dma_wait3A_1051 = arith.constant 0 : i32
        %dma_wait3A_1052 = tpu.memref_slice %arg9[%dma_wait3A_1050, %dma_wait3A_1051] : memref<64x129xf32, #tpu.memory_space<vmem>> -> memref<8x128xf32, #tpu.memory_space<vmem>>
        %dma_wait3A_1053 = arith.constant 0 : i32
        %dma_wait3A_1054 = arith.constant 0 : i32
        %dma_wait3A_1055 = tpu.memref_slice %arg4[%select_n3A_933, %dma_wait3A_1049, %add3A_967, %dma_wait3A_1053, %dma_wait3A_1054] : memref<50x8x128x8x128xf32, #tpu.memory_space<hbm>> -> memref<1x1x1x8x128xf32, #tpu.memory_space<hbm>>
        %dma_wait3A_1056 = tpu.memref_squeeze %dma_wait3A_1055 : memref<1x1x1x8x128xf32, #tpu.memory_space<hbm>> -> memref<8x128xf32, #tpu.memory_space<hbm>>
        %dma_wait3A_1057 = arith.constant 0 : i32
        %dma_wait3A_1058 = arith.constant 0 : i32
        %dma_wait3A_1059 = tpu.memref_slice %arg4[%select_n3A_933, %dma_wait3A_1049, %add3A_967, %dma_wait3A_1057, %dma_wait3A_1058] : memref<50x8x128x8x128xf32, #tpu.memory_space<hbm>> -> memref<1x1x1x8x128xf32, #tpu.memory_space<hbm>>
        %dma_wait3A_1060 = tpu.memref_squeeze %dma_wait3A_1059 : memref<1x1x1x8x128xf32, #tpu.memory_space<hbm>> -> memref<8x128xf32, #tpu.memory_space<hbm>>
        %dma_wait3A_1061 = arith.constant 40 : i32
        %dma_wait3A_1062 = arith.constant 0 : i32
        %dma_wait3A_1063 = tpu.memref_slice %arg9[%dma_wait3A_1061, %dma_wait3A_1062] : memref<64x129xf32, #tpu.memory_space<vmem>> -> memref<8x128xf32, #tpu.memory_space<vmem>>
        tpu.wait_dma2 semaphore(%arg13 : memref<!tpu.dma_semaphore, #tpu.memory_space<semaphore_mem>>) src(%dma_wait3A_1063 : memref<8x128xf32, #tpu.memory_space<vmem>>) dst(%dma_wait3A_1060 : memref<8x128xf32, #tpu.memory_space<hbm>>)
        %dma_wait3A_1064 = arith.constant 6 : i32
        %dma_wait3A_1065 = arith.constant 48 : i32
        %dma_wait3A_1066 = arith.constant 0 : i32
        %dma_wait3A_1067 = tpu.memref_slice %arg9[%dma_wait3A_1065, %dma_wait3A_1066] : memref<64x129xf32, #tpu.memory_space<vmem>> -> memref<8x128xf32, #tpu.memory_space<vmem>>
        %dma_wait3A_1068 = arith.constant 0 : i32
        %dma_wait3A_1069 = arith.constant 0 : i32
        %dma_wait3A_1070 = tpu.memref_slice %arg4[%select_n3A_933, %dma_wait3A_1064, %add3A_970, %dma_wait3A_1068, %dma_wait3A_1069] : memref<50x8x128x8x128xf32, #tpu.memory_space<hbm>> -> memref<1x1x1x8x128xf32, #tpu.memory_space<hbm>>
        %dma_wait3A_1071 = tpu.memref_squeeze %dma_wait3A_1070 : memref<1x1x1x8x128xf32, #tpu.memory_space<hbm>> -> memref<8x128xf32, #tpu.memory_space<hbm>>
        %dma_wait3A_1072 = arith.constant 0 : i32
        %dma_wait3A_1073 = arith.constant 0 : i32
        %dma_wait3A_1074 = tpu.memref_slice %arg4[%select_n3A_933, %dma_wait3A_1064, %add3A_970, %dma_wait3A_1072, %dma_wait3A_1073] : memref<50x8x128x8x128xf32, #tpu.memory_space<hbm>> -> memref<1x1x1x8x128xf32, #tpu.memory_space<hbm>>
        %dma_wait3A_1075 = tpu.memref_squeeze %dma_wait3A_1074 : memref<1x1x1x8x128xf32, #tpu.memory_space<hbm>> -> memref<8x128xf32, #tpu.memory_space<hbm>>
        %dma_wait3A_1076 = arith.constant 48 : i32
        %dma_wait3A_1077 = arith.constant 0 : i32
        %dma_wait3A_1078 = tpu.memref_slice %arg9[%dma_wait3A_1076, %dma_wait3A_1077] : memref<64x129xf32, #tpu.memory_space<vmem>> -> memref<8x128xf32, #tpu.memory_space<vmem>>
        tpu.wait_dma2 semaphore(%arg13 : memref<!tpu.dma_semaphore, #tpu.memory_space<semaphore_mem>>) src(%dma_wait3A_1078 : memref<8x128xf32, #tpu.memory_space<vmem>>) dst(%dma_wait3A_1075 : memref<8x128xf32, #tpu.memory_space<hbm>>)
        %dma_wait3A_1079 = arith.constant 7 : i32
        %dma_wait3A_1080 = arith.constant 56 : i32
        %dma_wait3A_1081 = arith.constant 0 : i32
        %dma_wait3A_1082 = tpu.memref_slice %arg9[%dma_wait3A_1080, %dma_wait3A_1081] : memref<64x129xf32, #tpu.memory_space<vmem>> -> memref<8x128xf32, #tpu.memory_space<vmem>>
        %dma_wait3A_1083 = arith.constant 0 : i32
        %dma_wait3A_1084 = arith.constant 0 : i32
        %dma_wait3A_1085 = tpu.memref_slice %arg4[%select_n3A_933, %dma_wait3A_1079, %add3A_973, %dma_wait3A_1083, %dma_wait3A_1084] : memref<50x8x128x8x128xf32, #tpu.memory_space<hbm>> -> memref<1x1x1x8x128xf32, #tpu.memory_space<hbm>>
        %dma_wait3A_1086 = tpu.memref_squeeze %dma_wait3A_1085 : memref<1x1x1x8x128xf32, #tpu.memory_space<hbm>> -> memref<8x128xf32, #tpu.memory_space<hbm>>
        %dma_wait3A_1087 = arith.constant 0 : i32
        %dma_wait3A_1088 = arith.constant 0 : i32
        %dma_wait3A_1089 = tpu.memref_slice %arg4[%select_n3A_933, %dma_wait3A_1079, %add3A_973, %dma_wait3A_1087, %dma_wait3A_1088] : memref<50x8x128x8x128xf32, #tpu.memory_space<hbm>> -> memref<1x1x1x8x128xf32, #tpu.memory_space<hbm>>
        %dma_wait3A_1090 = tpu.memref_squeeze %dma_wait3A_1089 : memref<1x1x1x8x128xf32, #tpu.memory_space<hbm>> -> memref<8x128xf32, #tpu.memory_space<hbm>>
        %dma_wait3A_1091 = arith.constant 56 : i32
        %dma_wait3A_1092 = arith.constant 0 : i32
        %dma_wait3A_1093 = tpu.memref_slice %arg9[%dma_wait3A_1091, %dma_wait3A_1092] : memref<64x129xf32, #tpu.memory_space<vmem>> -> memref<8x128xf32, #tpu.memory_space<vmem>>
        tpu.wait_dma2 semaphore(%arg13 : memref<!tpu.dma_semaphore, #tpu.memory_space<semaphore_mem>>) src(%dma_wait3A_1093 : memref<8x128xf32, #tpu.memory_space<vmem>>) dst(%dma_wait3A_1090 : memref<8x128xf32, #tpu.memory_space<hbm>>)
      } else {
      }
      %scan3A_718 = arith.constant 0 : i32
      %scan3A_719 = arith.constant 0 : i32
      %scan3A_720 = arith.constant 128 : i32
      %scan3A_721 = arith.addi %scan3A_719, %scan3A_720 : i32
      %scan3A_722 = arith.constant 1 : i32
      scf.for %scan3A_908 = %scan3A_719 to %scan3A_721 step %scan3A_722  : i32 {
        %add3A_909 = vector.broadcast %scan3A_908 : i32 to vector<16xi32>
        %add3A_910 = arith.addi %mul3A_31, %add3A_909 : vector<16xi32>
        %get3A = arith.index_cast %scan3A_908 : i32 to index
        %get3A_911 = arith.constant 0 : index
        %get3A_912 = tpu.vector_load %arg7[%get3A, %get3A_911] {strides = array<i32>} : memref<128x64xf32, #tpu.memory_space<vmem>>, vector<16xf32>,
        %get3A_913 = arith.index_cast %scan3A_908 : i32 to index
        %get3A_914 = arith.constant 16 : index
        %get3A_915 = tpu.vector_load %arg7[%get3A_913, %get3A_914] {strides = array<i32>} : memref<128x64xf32, #tpu.memory_space<vmem>>, vector<16xf32>,
        %get3A_916 = arith.index_cast %scan3A_908 : i32 to index
        %get3A_917 = arith.constant 32 : index
        %get3A_918 = tpu.vector_load %arg7[%get3A_916, %get3A_917] {strides = array<i32>} : memref<128x64xf32, #tpu.memory_space<vmem>>, vector<16xf32>,
        %get3A_919 = arith.index_cast %scan3A_908 : i32 to index
        %get3A_920 = arith.constant 48 : index
        %get3A_921 = tpu.vector_load %arg7[%get3A_919, %get3A_920] {strides = array<i32>} : memref<128x64xf32, #tpu.memory_space<vmem>>, vector<16xf32>,
        tpu.vector_store_idx %arg9[%add3A_34, %add3A_910], %get3A_912 : memref<64x129xf32, #tpu.memory_space<vmem>>[vector<16xi32>, vector<16xi32>], vector<16xf32>,
        tpu.vector_store_idx %arg9[%add3A_37, %add3A_910], %get3A_915 : memref<64x129xf32, #tpu.memory_space<vmem>>[vector<16xi32>, vector<16xi32>], vector<16xf32>,
        tpu.vector_store_idx %arg9[%add3A_40, %add3A_910], %get3A_918 : memref<64x129xf32, #tpu.memory_space<vmem>>[vector<16xi32>, vector<16xi32>], vector<16xf32>,
        tpu.vector_store_idx %arg9[%add3A_43, %add3A_910], %get3A_921 : memref<64x129xf32, #tpu.memory_space<vmem>>[vector<16xi32>, vector<16xi32>], vector<16xf32>,
      }
      %scan3A_723 = arith.constant 128 : i32
      %jit3A_724 = arith.constant 4 : i32
      %div3A_725 = arith.divsi %add3A_660, %jit3A_724 : i32
      %sign3A_726 = arith.constant 0 : i32
      %sign3A_727 = arith.cmpi sgt, %add3A_660, %sign3A_726 : i32
      %sign3A_728 = arith.extui %sign3A_727 : i1 to i32
      %sign3A_729 = arith.constant 0 : i32
      %sign3A_730 = arith.cmpi slt, %add3A_660, %sign3A_729 : i32
      %sign3A_731 = arith.extui %sign3A_730 : i1 to i32
      %sign3A_732 = arith.subi %sign3A_728, %sign3A_731 : i32
      %sign3A_733 = arith.constant 0 : i32
      %sign3A_734 = arith.cmpi sgt, %jit3A_724, %sign3A_733 : i32
      %sign3A_735 = arith.extui %sign3A_734 : i1 to i32
      %sign3A_736 = arith.constant 0 : i32
      %sign3A_737 = arith.cmpi slt, %jit3A_724, %sign3A_736 : i32
      %sign3A_738 = arith.extui %sign3A_737 : i1 to i32
      %sign3A_739 = arith.subi %sign3A_735, %sign3A_738 : i32
      %ne3A_740 = arith.cmpi ne, %sign3A_732, %sign3A_739 : i32
      %rem3A_741 = arith.remsi %add3A_660, %jit3A_724 : i32
      %ne3A_742 = arith.constant 0 : i32
      %ne3A_743 = arith.cmpi ne, %rem3A_741, %ne3A_742 : i32
      %and3A_744 = arith.andi %ne3A_740, %ne3A_743 : i1
      %sub3A_745 = arith.constant 1 : i32
      %sub3A_746 = arith.subi %div3A_725, %sub3A_745 : i32
      %select_n3A_747 = arith.select %and3A_744, %sub3A_746, %div3A_725 : i32
      %jit3A_748 = arith.constant 4 : i32
      %eq3A_749 = arith.constant 0 : i32
      %eq3A_750 = arith.cmpi eq, %jit3A_748, %eq3A_749 : i32
      %jit3A_751 = arith.constant 1 : i32
      %select_n3A_752 = arith.select %eq3A_750, %jit3A_751, %jit3A_748 : i32
      %rem3A_753 = arith.remsi %add3A_660, %select_n3A_752 : i32
      %ne3A_754 = arith.constant 0 : i32
      %ne3A_755 = arith.cmpi ne, %rem3A_753, %ne3A_754 : i32
      %lt3A_756 = arith.constant 0 : i32
      %lt3A_757 = arith.cmpi slt, %rem3A_753, %lt3A_756 : i32
      %lt3A_758 = arith.constant 0 : i32
      %lt3A_759 = arith.cmpi slt, %select_n3A_752, %lt3A_758 : i32
      %ne3A_760 = arith.xori %lt3A_757, %lt3A_759 : i1
      %and3A_761 = arith.andi %ne3A_760, %ne3A_755 : i1
      %add3A_762 = arith.addi %rem3A_753, %select_n3A_752 : i32
      %select_n3A_763 = arith.select %and3A_761, %add3A_762, %rem3A_753 : i32
      %mul3A_764 = arith.constant 4 : i32
      %mul3A_765 = arith.muli %add3A, %mul3A_764 : i32
      %add3A_766 = arith.addi %mul3A_765, %select_n3A_763 : i32
      %mul3A_767 = arith.constant 4 : i32
      %mul3A_768 = arith.muli %add3A, %mul3A_767 : i32
      %add3A_769 = arith.addi %mul3A_768, %select_n3A_763 : i32
      %mul3A_770 = arith.constant 4 : i32
      %mul3A_771 = arith.muli %add3A, %mul3A_770 : i32
      %add3A_772 = arith.addi %mul3A_771, %select_n3A_763 : i32
      %mul3A_773 = arith.constant 4 : i32
      %mul3A_774 = arith.muli %add3A, %mul3A_773 : i32
      %add3A_775 = arith.addi %mul3A_774, %select_n3A_763 : i32
      %mul3A_776 = arith.constant 4 : i32
      %mul3A_777 = arith.muli %add3A, %mul3A_776 : i32
      %add3A_778 = arith.addi %mul3A_777, %select_n3A_763 : i32
      %mul3A_779 = arith.constant 4 : i32
      %mul3A_780 = arith.muli %add3A, %mul3A_779 : i32
      %add3A_781 = arith.addi %mul3A_780, %select_n3A_763 : i32
      %mul3A_782 = arith.constant 4 : i32
      %mul3A_783 = arith.muli %add3A, %mul3A_782 : i32
      %add3A_784 = arith.addi %mul3A_783, %select_n3A_763 : i32
      %mul3A_785 = arith.constant 4 : i32
      %mul3A_786 = arith.muli %add3A, %mul3A_785 : i32
      %add3A_787 = arith.addi %mul3A_786, %select_n3A_763 : i32
      %dma_start3A_788 = arith.constant 0 : i32
      %dma_start3A_789 = arith.constant 0 : i32
      %dma_start3A_790 = arith.constant 0 : i32
      %dma_start3A_791 = tpu.memref_slice %arg9[%dma_start3A_789, %dma_start3A_790] : memref<64x129xf32, #tpu.memory_space<vmem>> -> memref<8x128xf32, #tpu.memory_space<vmem>>
      %dma_start3A_792 = arith.constant 0 : i32
      %dma_start3A_793 = arith.constant 0 : i32
      %dma_start3A_794 = tpu.memref_slice %arg4[%select_n3A_747, %dma_start3A_788, %add3A_766, %dma_start3A_792, %dma_start3A_793] : memref<50x8x128x8x128xf32, #tpu.memory_space<hbm>> -> memref<1x1x1x8x128xf32, #tpu.memory_space<hbm>>
      %dma_start3A_795 = tpu.memref_squeeze %dma_start3A_794 : memref<1x1x1x8x128xf32, #tpu.memory_space<hbm>> -> memref<8x128xf32, #tpu.memory_space<hbm>>
      %dma_start3A_796 = arith.constant 0 : i32
      %dma_start3A_797 = arith.constant 0 : i32
      %dma_start3A_798 = tpu.memref_slice %arg4[%select_n3A_747, %dma_start3A_788, %add3A_766, %dma_start3A_796, %dma_start3A_797] : memref<50x8x128x8x128xf32, #tpu.memory_space<hbm>> -> memref<1x1x1x8x128xf32, #tpu.memory_space<hbm>>
      %dma_start3A_799 = tpu.memref_squeeze %dma_start3A_798 : memref<1x1x1x8x128xf32, #tpu.memory_space<hbm>> -> memref<8x128xf32, #tpu.memory_space<hbm>>
      %dma_start3A_800 = arith.constant 0 : i32
      %dma_start3A_801 = arith.constant 0 : i32
      %dma_start3A_802 = tpu.memref_slice %arg9[%dma_start3A_800, %dma_start3A_801] : memref<64x129xf32, #tpu.memory_space<vmem>> -> memref<8x128xf32, #tpu.memory_space<vmem>>
      tpu.enqueue_dma source(%dma_start3A_802 : memref<8x128xf32, #tpu.memory_space<vmem>>) target(%dma_start3A_799 : memref<8x128xf32, #tpu.memory_space<hbm>>) target_semaphore(%arg13 : memref<!tpu.dma_semaphore, #tpu.memory_space<semaphore_mem>>)
      %dma_start3A_803 = arith.constant 1 : i32
      %dma_start3A_804 = arith.constant 8 : i32
      %dma_start3A_805 = arith.constant 0 : i32
      %dma_start3A_806 = tpu.memref_slice %arg9[%dma_start3A_804, %dma_start3A_805] : memref<64x129xf32, #tpu.memory_space<vmem>> -> memref<8x128xf32, #tpu.memory_space<vmem>>
      %dma_start3A_807 = arith.constant 0 : i32
      %dma_start3A_808 = arith.constant 0 : i32
      %dma_start3A_809 = tpu.memref_slice %arg4[%select_n3A_747, %dma_start3A_803, %add3A_769, %dma_start3A_807, %dma_start3A_808] : memref<50x8x128x8x128xf32, #tpu.memory_space<hbm>> -> memref<1x1x1x8x128xf32, #tpu.memory_space<hbm>>
      %dma_start3A_810 = tpu.memref_squeeze %dma_start3A_809 : memref<1x1x1x8x128xf32, #tpu.memory_space<hbm>> -> memref<8x128xf32, #tpu.memory_space<hbm>>
      %dma_start3A_811 = arith.constant 0 : i32
      %dma_start3A_812 = arith.constant 0 : i32
      %dma_start3A_813 = tpu.memref_slice %arg4[%select_n3A_747, %dma_start3A_803, %add3A_769, %dma_start3A_811, %dma_start3A_812] : memref<50x8x128x8x128xf32, #tpu.memory_space<hbm>> -> memref<1x1x1x8x128xf32, #tpu.memory_space<hbm>>
      %dma_start3A_814 = tpu.memref_squeeze %dma_start3A_813 : memref<1x1x1x8x128xf32, #tpu.memory_space<hbm>> -> memref<8x128xf32, #tpu.memory_space<hbm>>
      %dma_start3A_815 = arith.constant 8 : i32
      %dma_start3A_816 = arith.constant 0 : i32
      %dma_start3A_817 = tpu.memref_slice %arg9[%dma_start3A_815, %dma_start3A_816] : memref<64x129xf32, #tpu.memory_space<vmem>> -> memref<8x128xf32, #tpu.memory_space<vmem>>
      tpu.enqueue_dma source(%dma_start3A_817 : memref<8x128xf32, #tpu.memory_space<vmem>>) target(%dma_start3A_814 : memref<8x128xf32, #tpu.memory_space<hbm>>) target_semaphore(%arg13 : memref<!tpu.dma_semaphore, #tpu.memory_space<semaphore_mem>>)
      %dma_start3A_818 = arith.constant 2 : i32
      %dma_start3A_819 = arith.constant 16 : i32
      %dma_start3A_820 = arith.constant 0 : i32
      %dma_start3A_821 = tpu.memref_slice %arg9[%dma_start3A_819, %dma_start3A_820] : memref<64x129xf32, #tpu.memory_space<vmem>> -> memref<8x128xf32, #tpu.memory_space<vmem>>
      %dma_start3A_822 = arith.constant 0 : i32
      %dma_start3A_823 = arith.constant 0 : i32
      %dma_start3A_824 = tpu.memref_slice %arg4[%select_n3A_747, %dma_start3A_818, %add3A_772, %dma_start3A_822, %dma_start3A_823] : memref<50x8x128x8x128xf32, #tpu.memory_space<hbm>> -> memref<1x1x1x8x128xf32, #tpu.memory_space<hbm>>
      %dma_start3A_825 = tpu.memref_squeeze %dma_start3A_824 : memref<1x1x1x8x128xf32, #tpu.memory_space<hbm>> -> memref<8x128xf32, #tpu.memory_space<hbm>>
      %dma_start3A_826 = arith.constant 0 : i32
      %dma_start3A_827 = arith.constant 0 : i32
      %dma_start3A_828 = tpu.memref_slice %arg4[%select_n3A_747, %dma_start3A_818, %add3A_772, %dma_start3A_826, %dma_start3A_827] : memref<50x8x128x8x128xf32, #tpu.memory_space<hbm>> -> memref<1x1x1x8x128xf32, #tpu.memory_space<hbm>>
      %dma_start3A_829 = tpu.memref_squeeze %dma_start3A_828 : memref<1x1x1x8x128xf32, #tpu.memory_space<hbm>> -> memref<8x128xf32, #tpu.memory_space<hbm>>
      %dma_start3A_830 = arith.constant 16 : i32
      %dma_start3A_831 = arith.constant 0 : i32
      %dma_start3A_832 = tpu.memref_slice %arg9[%dma_start3A_830, %dma_start3A_831] : memref<64x129xf32, #tpu.memory_space<vmem>> -> memref<8x128xf32, #tpu.memory_space<vmem>>
      tpu.enqueue_dma source(%dma_start3A_832 : memref<8x128xf32, #tpu.memory_space<vmem>>) target(%dma_start3A_829 : memref<8x128xf32, #tpu.memory_space<hbm>>) target_semaphore(%arg13 : memref<!tpu.dma_semaphore, #tpu.memory_space<semaphore_mem>>)
      %dma_start3A_833 = arith.constant 3 : i32
      %dma_start3A_834 = arith.constant 24 : i32
      %dma_start3A_835 = arith.constant 0 : i32
      %dma_start3A_836 = tpu.memref_slice %arg9[%dma_start3A_834, %dma_start3A_835] : memref<64x129xf32, #tpu.memory_space<vmem>> -> memref<8x128xf32, #tpu.memory_space<vmem>>
      %dma_start3A_837 = arith.constant 0 : i32
      %dma_start3A_838 = arith.constant 0 : i32
      %dma_start3A_839 = tpu.memref_slice %arg4[%select_n3A_747, %dma_start3A_833, %add3A_775, %dma_start3A_837, %dma_start3A_838] : memref<50x8x128x8x128xf32, #tpu.memory_space<hbm>> -> memref<1x1x1x8x128xf32, #tpu.memory_space<hbm>>
      %dma_start3A_840 = tpu.memref_squeeze %dma_start3A_839 : memref<1x1x1x8x128xf32, #tpu.memory_space<hbm>> -> memref<8x128xf32, #tpu.memory_space<hbm>>
      %dma_start3A_841 = arith.constant 0 : i32
      %dma_start3A_842 = arith.constant 0 : i32
      %dma_start3A_843 = tpu.memref_slice %arg4[%select_n3A_747, %dma_start3A_833, %add3A_775, %dma_start3A_841, %dma_start3A_842] : memref<50x8x128x8x128xf32, #tpu.memory_space<hbm>> -> memref<1x1x1x8x128xf32, #tpu.memory_space<hbm>>
      %dma_start3A_844 = tpu.memref_squeeze %dma_start3A_843 : memref<1x1x1x8x128xf32, #tpu.memory_space<hbm>> -> memref<8x128xf32, #tpu.memory_space<hbm>>
      %dma_start3A_845 = arith.constant 24 : i32
      %dma_start3A_846 = arith.constant 0 : i32
      %dma_start3A_847 = tpu.memref_slice %arg9[%dma_start3A_845, %dma_start3A_846] : memref<64x129xf32, #tpu.memory_space<vmem>> -> memref<8x128xf32, #tpu.memory_space<vmem>>
      tpu.enqueue_dma source(%dma_start3A_847 : memref<8x128xf32, #tpu.memory_space<vmem>>) target(%dma_start3A_844 : memref<8x128xf32, #tpu.memory_space<hbm>>) target_semaphore(%arg13 : memref<!tpu.dma_semaphore, #tpu.memory_space<semaphore_mem>>)
      %dma_start3A_848 = arith.constant 4 : i32
      %dma_start3A_849 = arith.constant 32 : i32
      %dma_start3A_850 = arith.constant 0 : i32
      %dma_start3A_851 = tpu.memref_slice %arg9[%dma_start3A_849, %dma_start3A_850] : memref<64x129xf32, #tpu.memory_space<vmem>> -> memref<8x128xf32, #tpu.memory_space<vmem>>
      %dma_start3A_852 = arith.constant 0 : i32
      %dma_start3A_853 = arith.constant 0 : i32
      %dma_start3A_854 = tpu.memref_slice %arg4[%select_n3A_747, %dma_start3A_848, %add3A_778, %dma_start3A_852, %dma_start3A_853] : memref<50x8x128x8x128xf32, #tpu.memory_space<hbm>> -> memref<1x1x1x8x128xf32, #tpu.memory_space<hbm>>
      %dma_start3A_855 = tpu.memref_squeeze %dma_start3A_854 : memref<1x1x1x8x128xf32, #tpu.memory_space<hbm>> -> memref<8x128xf32, #tpu.memory_space<hbm>>
      %dma_start3A_856 = arith.constant 0 : i32
      %dma_start3A_857 = arith.constant 0 : i32
      %dma_start3A_858 = tpu.memref_slice %arg4[%select_n3A_747, %dma_start3A_848, %add3A_778, %dma_start3A_856, %dma_start3A_857] : memref<50x8x128x8x128xf32, #tpu.memory_space<hbm>> -> memref<1x1x1x8x128xf32, #tpu.memory_space<hbm>>
      %dma_start3A_859 = tpu.memref_squeeze %dma_start3A_858 : memref<1x1x1x8x128xf32, #tpu.memory_space<hbm>> -> memref<8x128xf32, #tpu.memory_space<hbm>>
      %dma_start3A_860 = arith.constant 32 : i32
      %dma_start3A_861 = arith.constant 0 : i32
      %dma_start3A_862 = tpu.memref_slice %arg9[%dma_start3A_860, %dma_start3A_861] : memref<64x129xf32, #tpu.memory_space<vmem>> -> memref<8x128xf32, #tpu.memory_space<vmem>>
      tpu.enqueue_dma source(%dma_start3A_862 : memref<8x128xf32, #tpu.memory_space<vmem>>) target(%dma_start3A_859 : memref<8x128xf32, #tpu.memory_space<hbm>>) target_semaphore(%arg13 : memref<!tpu.dma_semaphore, #tpu.memory_space<semaphore_mem>>)
      %dma_start3A_863 = arith.constant 5 : i32
      %dma_start3A_864 = arith.constant 40 : i32
      %dma_start3A_865 = arith.constant 0 : i32
      %dma_start3A_866 = tpu.memref_slice %arg9[%dma_start3A_864, %dma_start3A_865] : memref<64x129xf32, #tpu.memory_space<vmem>> -> memref<8x128xf32, #tpu.memory_space<vmem>>
      %dma_start3A_867 = arith.constant 0 : i32
      %dma_start3A_868 = arith.constant 0 : i32
      %dma_start3A_869 = tpu.memref_slice %arg4[%select_n3A_747, %dma_start3A_863, %add3A_781, %dma_start3A_867, %dma_start3A_868] : memref<50x8x128x8x128xf32, #tpu.memory_space<hbm>> -> memref<1x1x1x8x128xf32, #tpu.memory_space<hbm>>
      %dma_start3A_870 = tpu.memref_squeeze %dma_start3A_869 : memref<1x1x1x8x128xf32, #tpu.memory_space<hbm>> -> memref<8x128xf32, #tpu.memory_space<hbm>>
      %dma_start3A_871 = arith.constant 0 : i32
      %dma_start3A_872 = arith.constant 0 : i32
      %dma_start3A_873 = tpu.memref_slice %arg4[%select_n3A_747, %dma_start3A_863, %add3A_781, %dma_start3A_871, %dma_start3A_872] : memref<50x8x128x8x128xf32, #tpu.memory_space<hbm>> -> memref<1x1x1x8x128xf32, #tpu.memory_space<hbm>>
      %dma_start3A_874 = tpu.memref_squeeze %dma_start3A_873 : memref<1x1x1x8x128xf32, #tpu.memory_space<hbm>> -> memref<8x128xf32, #tpu.memory_space<hbm>>
      %dma_start3A_875 = arith.constant 40 : i32
      %dma_start3A_876 = arith.constant 0 : i32
      %dma_start3A_877 = tpu.memref_slice %arg9[%dma_start3A_875, %dma_start3A_876] : memref<64x129xf32, #tpu.memory_space<vmem>> -> memref<8x128xf32, #tpu.memory_space<vmem>>
      tpu.enqueue_dma source(%dma_start3A_877 : memref<8x128xf32, #tpu.memory_space<vmem>>) target(%dma_start3A_874 : memref<8x128xf32, #tpu.memory_space<hbm>>) target_semaphore(%arg13 : memref<!tpu.dma_semaphore, #tpu.memory_space<semaphore_mem>>)
      %dma_start3A_878 = arith.constant 6 : i32
      %dma_start3A_879 = arith.constant 48 : i32
      %dma_start3A_880 = arith.constant 0 : i32
      %dma_start3A_881 = tpu.memref_slice %arg9[%dma_start3A_879, %dma_start3A_880] : memref<64x129xf32, #tpu.memory_space<vmem>> -> memref<8x128xf32, #tpu.memory_space<vmem>>
      %dma_start3A_882 = arith.constant 0 : i32
      %dma_start3A_883 = arith.constant 0 : i32
      %dma_start3A_884 = tpu.memref_slice %arg4[%select_n3A_747, %dma_start3A_878, %add3A_784, %dma_start3A_882, %dma_start3A_883] : memref<50x8x128x8x128xf32, #tpu.memory_space<hbm>> -> memref<1x1x1x8x128xf32, #tpu.memory_space<hbm>>
      %dma_start3A_885 = tpu.memref_squeeze %dma_start3A_884 : memref<1x1x1x8x128xf32, #tpu.memory_space<hbm>> -> memref<8x128xf32, #tpu.memory_space<hbm>>
      %dma_start3A_886 = arith.constant 0 : i32
      %dma_start3A_887 = arith.constant 0 : i32
      %dma_start3A_888 = tpu.memref_slice %arg4[%select_n3A_747, %dma_start3A_878, %add3A_784, %dma_start3A_886, %dma_start3A_887] : memref<50x8x128x8x128xf32, #tpu.memory_space<hbm>> -> memref<1x1x1x8x128xf32, #tpu.memory_space<hbm>>
      %dma_start3A_889 = tpu.memref_squeeze %dma_start3A_888 : memref<1x1x1x8x128xf32, #tpu.memory_space<hbm>> -> memref<8x128xf32, #tpu.memory_space<hbm>>
      %dma_start3A_890 = arith.constant 48 : i32
      %dma_start3A_891 = arith.constant 0 : i32
      %dma_start3A_892 = tpu.memref_slice %arg9[%dma_start3A_890, %dma_start3A_891] : memref<64x129xf32, #tpu.memory_space<vmem>> -> memref<8x128xf32, #tpu.memory_space<vmem>>
      tpu.enqueue_dma source(%dma_start3A_892 : memref<8x128xf32, #tpu.memory_space<vmem>>) target(%dma_start3A_889 : memref<8x128xf32, #tpu.memory_space<hbm>>) target_semaphore(%arg13 : memref<!tpu.dma_semaphore, #tpu.memory_space<semaphore_mem>>)
      %dma_start3A_893 = arith.constant 7 : i32
      %dma_start3A_894 = arith.constant 56 : i32
      %dma_start3A_895 = arith.constant 0 : i32
      %dma_start3A_896 = tpu.memref_slice %arg9[%dma_start3A_894, %dma_start3A_895] : memref<64x129xf32, #tpu.memory_space<vmem>> -> memref<8x128xf32, #tpu.memory_space<vmem>>
      %dma_start3A_897 = arith.constant 0 : i32
      %dma_start3A_898 = arith.constant 0 : i32
      %dma_start3A_899 = tpu.memref_slice %arg4[%select_n3A_747, %dma_start3A_893, %add3A_787, %dma_start3A_897, %dma_start3A_898] : memref<50x8x128x8x128xf32, #tpu.memory_space<hbm>> -> memref<1x1x1x8x128xf32, #tpu.memory_space<hbm>>
      %dma_start3A_900 = tpu.memref_squeeze %dma_start3A_899 : memref<1x1x1x8x128xf32, #tpu.memory_space<hbm>> -> memref<8x128xf32, #tpu.memory_space<hbm>>
      %dma_start3A_901 = arith.constant 0 : i32
      %dma_start3A_902 = arith.constant 0 : i32
      %dma_start3A_903 = tpu.memref_slice %arg4[%select_n3A_747, %dma_start3A_893, %add3A_787, %dma_start3A_901, %dma_start3A_902] : memref<50x8x128x8x128xf32, #tpu.memory_space<hbm>> -> memref<1x1x1x8x128xf32, #tpu.memory_space<hbm>>
      %dma_start3A_904 = tpu.memref_squeeze %dma_start3A_903 : memref<1x1x1x8x128xf32, #tpu.memory_space<hbm>> -> memref<8x128xf32, #tpu.memory_space<hbm>>
      %dma_start3A_905 = arith.constant 56 : i32
      %dma_start3A_906 = arith.constant 0 : i32
      %dma_start3A_907 = tpu.memref_slice %arg9[%dma_start3A_905, %dma_start3A_906] : memref<64x129xf32, #tpu.memory_space<vmem>> -> memref<8x128xf32, #tpu.memory_space<vmem>>
      tpu.enqueue_dma source(%dma_start3A_907 : memref<8x128xf32, #tpu.memory_space<vmem>>) target(%dma_start3A_904 : memref<8x128xf32, #tpu.memory_space<hbm>>) target_semaphore(%arg13 : memref<!tpu.dma_semaphore, #tpu.memory_space<semaphore_mem>>)
    }
    %scan3A_54 = arith.constant 100 : i32
    %mul3A_55 = arith.constant 4 : i32
    %mul3A_56 = arith.muli %add3A, %mul3A_55 : i32
    %add3A_57 = arith.constant 2 : i32
    %add3A_58 = arith.addi %mul3A_56, %add3A_57 : i32
    %mul3A_59 = arith.constant 4 : i32
    %mul3A_60 = arith.muli %add3A, %mul3A_59 : i32
    %add3A_61 = arith.constant 2 : i32
    %add3A_62 = arith.addi %mul3A_60, %add3A_61 : i32
    %mul3A_63 = arith.constant 4 : i32
    %mul3A_64 = arith.muli %add3A, %mul3A_63 : i32
    %add3A_65 = arith.constant 2 : i32
    %add3A_66 = arith.addi %mul3A_64, %add3A_65 : i32
    %mul3A_67 = arith.constant 4 : i32
    %mul3A_68 = arith.muli %add3A, %mul3A_67 : i32
    %add3A_69 = arith.constant 2 : i32
    %add3A_70 = arith.addi %mul3A_68, %add3A_69 : i32
    %mul3A_71 = arith.constant 4 : i32
    %mul3A_72 = arith.muli %add3A, %mul3A_71 : i32
    %add3A_73 = arith.constant 2 : i32
    %add3A_74 = arith.addi %mul3A_72, %add3A_73 : i32
    %mul3A_75 = arith.constant 4 : i32
    %mul3A_76 = arith.muli %add3A, %mul3A_75 : i32
    %add3A_77 = arith.constant 2 : i32
    %add3A_78 = arith.addi %mul3A_76, %add3A_77 : i32
    %mul3A_79 = arith.constant 4 : i32
    %mul3A_80 = arith.muli %add3A, %mul3A_79 : i32
    %add3A_81 = arith.constant 2 : i32
    %add3A_82 = arith.addi %mul3A_80, %add3A_81 : i32
    %mul3A_83 = arith.constant 4 : i32
    %mul3A_84 = arith.muli %add3A, %mul3A_83 : i32
    %add3A_85 = arith.constant 2 : i32
    %add3A_86 = arith.addi %mul3A_84, %add3A_85 : i32
    %dma_wait3A = arith.constant 49 : i32
    %dma_wait3A_87 = arith.constant 0 : i32
    %dma_wait3A_88 = arith.constant 0 : i32
    %dma_wait3A_89 = arith.constant 0 : i32
    %dma_wait3A_90 = tpu.memref_slice %arg8[%dma_wait3A_88, %dma_wait3A_89] : memref<64x129xf32, #tpu.memory_space<vmem>> -> memref<8x128xf32, #tpu.memory_space<vmem>>
    %dma_wait3A_91 = arith.constant 0 : i32
    %dma_wait3A_92 = arith.constant 0 : i32
    %dma_wait3A_93 = tpu.memref_slice %arg4[%dma_wait3A, %dma_wait3A_87, %add3A_58, %dma_wait3A_91, %dma_wait3A_92] : memref<50x8x128x8x128xf32, #tpu.memory_space<hbm>> -> memref<1x1x1x8x128xf32, #tpu.memory_space<hbm>>
    %dma_wait3A_94 = tpu.memref_squeeze %dma_wait3A_93 : memref<1x1x1x8x128xf32, #tpu.memory_space<hbm>> -> memref<8x128xf32, #tpu.memory_space<hbm>>
    %dma_wait3A_95 = arith.constant 0 : i32
    %dma_wait3A_96 = arith.constant 0 : i32
    %dma_wait3A_97 = tpu.memref_slice %arg4[%dma_wait3A, %dma_wait3A_87, %add3A_58, %dma_wait3A_95, %dma_wait3A_96] : memref<50x8x128x8x128xf32, #tpu.memory_space<hbm>> -> memref<1x1x1x8x128xf32, #tpu.memory_space<hbm>>
    %dma_wait3A_98 = tpu.memref_squeeze %dma_wait3A_97 : memref<1x1x1x8x128xf32, #tpu.memory_space<hbm>> -> memref<8x128xf32, #tpu.memory_space<hbm>>
    %dma_wait3A_99 = arith.constant 0 : i32
    %dma_wait3A_100 = arith.constant 0 : i32
    %dma_wait3A_101 = tpu.memref_slice %arg8[%dma_wait3A_99, %dma_wait3A_100] : memref<64x129xf32, #tpu.memory_space<vmem>> -> memref<8x128xf32, #tpu.memory_space<vmem>>
    tpu.wait_dma2 semaphore(%arg12 : memref<!tpu.dma_semaphore, #tpu.memory_space<semaphore_mem>>) src(%dma_wait3A_101 : memref<8x128xf32, #tpu.memory_space<vmem>>) dst(%dma_wait3A_98 : memref<8x128xf32, #tpu.memory_space<hbm>>)
    %dma_wait3A_102 = arith.constant 49 : i32
    %dma_wait3A_103 = arith.constant 1 : i32
    %dma_wait3A_104 = arith.constant 8 : i32
    %dma_wait3A_105 = arith.constant 0 : i32
    %dma_wait3A_106 = tpu.memref_slice %arg8[%dma_wait3A_104, %dma_wait3A_105] : memref<64x129xf32, #tpu.memory_space<vmem>> -> memref<8x128xf32, #tpu.memory_space<vmem>>
    %dma_wait3A_107 = arith.constant 0 : i32
    %dma_wait3A_108 = arith.constant 0 : i32
    %dma_wait3A_109 = tpu.memref_slice %arg4[%dma_wait3A_102, %dma_wait3A_103, %add3A_62, %dma_wait3A_107, %dma_wait3A_108] : memref<50x8x128x8x128xf32, #tpu.memory_space<hbm>> -> memref<1x1x1x8x128xf32, #tpu.memory_space<hbm>>
    %dma_wait3A_110 = tpu.memref_squeeze %dma_wait3A_109 : memref<1x1x1x8x128xf32, #tpu.memory_space<hbm>> -> memref<8x128xf32, #tpu.memory_space<hbm>>
    %dma_wait3A_111 = arith.constant 0 : i32
    %dma_wait3A_112 = arith.constant 0 : i32
    %dma_wait3A_113 = tpu.memref_slice %arg4[%dma_wait3A_102, %dma_wait3A_103, %add3A_62, %dma_wait3A_111, %dma_wait3A_112] : memref<50x8x128x8x128xf32, #tpu.memory_space<hbm>> -> memref<1x1x1x8x128xf32, #tpu.memory_space<hbm>>
    %dma_wait3A_114 = tpu.memref_squeeze %dma_wait3A_113 : memref<1x1x1x8x128xf32, #tpu.memory_space<hbm>> -> memref<8x128xf32, #tpu.memory_space<hbm>>
    %dma_wait3A_115 = arith.constant 8 : i32
    %dma_wait3A_116 = arith.constant 0 : i32
    %dma_wait3A_117 = tpu.memref_slice %arg8[%dma_wait3A_115, %dma_wait3A_116] : memref<64x129xf32, #tpu.memory_space<vmem>> -> memref<8x128xf32, #tpu.memory_space<vmem>>
    tpu.wait_dma2 semaphore(%arg12 : memref<!tpu.dma_semaphore, #tpu.memory_space<semaphore_mem>>) src(%dma_wait3A_117 : memref<8x128xf32, #tpu.memory_space<vmem>>) dst(%dma_wait3A_114 : memref<8x128xf32, #tpu.memory_space<hbm>>)
    %dma_wait3A_118 = arith.constant 49 : i32
    %dma_wait3A_119 = arith.constant 2 : i32
    %dma_wait3A_120 = arith.constant 16 : i32
    %dma_wait3A_121 = arith.constant 0 : i32
    %dma_wait3A_122 = tpu.memref_slice %arg8[%dma_wait3A_120, %dma_wait3A_121] : memref<64x129xf32, #tpu.memory_space<vmem>> -> memref<8x128xf32, #tpu.memory_space<vmem>>
    %dma_wait3A_123 = arith.constant 0 : i32
    %dma_wait3A_124 = arith.constant 0 : i32
    %dma_wait3A_125 = tpu.memref_slice %arg4[%dma_wait3A_118, %dma_wait3A_119, %add3A_66, %dma_wait3A_123, %dma_wait3A_124] : memref<50x8x128x8x128xf32, #tpu.memory_space<hbm>> -> memref<1x1x1x8x128xf32, #tpu.memory_space<hbm>>
    %dma_wait3A_126 = tpu.memref_squeeze %dma_wait3A_125 : memref<1x1x1x8x128xf32, #tpu.memory_space<hbm>> -> memref<8x128xf32, #tpu.memory_space<hbm>>
    %dma_wait3A_127 = arith.constant 0 : i32
    %dma_wait3A_128 = arith.constant 0 : i32
    %dma_wait3A_129 = tpu.memref_slice %arg4[%dma_wait3A_118, %dma_wait3A_119, %add3A_66, %dma_wait3A_127, %dma_wait3A_128] : memref<50x8x128x8x128xf32, #tpu.memory_space<hbm>> -> memref<1x1x1x8x128xf32, #tpu.memory_space<hbm>>
    %dma_wait3A_130 = tpu.memref_squeeze %dma_wait3A_129 : memref<1x1x1x8x128xf32, #tpu.memory_space<hbm>> -> memref<8x128xf32, #tpu.memory_space<hbm>>
    %dma_wait3A_131 = arith.constant 16 : i32
    %dma_wait3A_132 = arith.constant 0 : i32
    %dma_wait3A_133 = tpu.memref_slice %arg8[%dma_wait3A_131, %dma_wait3A_132] : memref<64x129xf32, #tpu.memory_space<vmem>> -> memref<8x128xf32, #tpu.memory_space<vmem>>
    tpu.wait_dma2 semaphore(%arg12 : memref<!tpu.dma_semaphore, #tpu.memory_space<semaphore_mem>>) src(%dma_wait3A_133 : memref<8x128xf32, #tpu.memory_space<vmem>>) dst(%dma_wait3A_130 : memref<8x128xf32, #tpu.memory_space<hbm>>)
    %dma_wait3A_134 = arith.constant 49 : i32
    %dma_wait3A_135 = arith.constant 3 : i32
    %dma_wait3A_136 = arith.constant 24 : i32
    %dma_wait3A_137 = arith.constant 0 : i32
    %dma_wait3A_138 = tpu.memref_slice %arg8[%dma_wait3A_136, %dma_wait3A_137] : memref<64x129xf32, #tpu.memory_space<vmem>> -> memref<8x128xf32, #tpu.memory_space<vmem>>
    %dma_wait3A_139 = arith.constant 0 : i32
    %dma_wait3A_140 = arith.constant 0 : i32
    %dma_wait3A_141 = tpu.memref_slice %arg4[%dma_wait3A_134, %dma_wait3A_135, %add3A_70, %dma_wait3A_139, %dma_wait3A_140] : memref<50x8x128x8x128xf32, #tpu.memory_space<hbm>> -> memref<1x1x1x8x128xf32, #tpu.memory_space<hbm>>
    %dma_wait3A_142 = tpu.memref_squeeze %dma_wait3A_141 : memref<1x1x1x8x128xf32, #tpu.memory_space<hbm>> -> memref<8x128xf32, #tpu.memory_space<hbm>>
    %dma_wait3A_143 = arith.constant 0 : i32
    %dma_wait3A_144 = arith.constant 0 : i32
    %dma_wait3A_145 = tpu.memref_slice %arg4[%dma_wait3A_134, %dma_wait3A_135, %add3A_70, %dma_wait3A_143, %dma_wait3A_144] : memref<50x8x128x8x128xf32, #tpu.memory_space<hbm>> -> memref<1x1x1x8x128xf32, #tpu.memory_space<hbm>>
    %dma_wait3A_146 = tpu.memref_squeeze %dma_wait3A_145 : memref<1x1x1x8x128xf32, #tpu.memory_space<hbm>> -> memref<8x128xf32, #tpu.memory_space<hbm>>
    %dma_wait3A_147 = arith.constant 24 : i32
    %dma_wait3A_148 = arith.constant 0 : i32
    %dma_wait3A_149 = tpu.memref_slice %arg8[%dma_wait3A_147, %dma_wait3A_148] : memref<64x129xf32, #tpu.memory_space<vmem>> -> memref<8x128xf32, #tpu.memory_space<vmem>>
    tpu.wait_dma2 semaphore(%arg12 : memref<!tpu.dma_semaphore, #tpu.memory_space<semaphore_mem>>) src(%dma_wait3A_149 : memref<8x128xf32, #tpu.memory_space<vmem>>) dst(%dma_wait3A_146 : memref<8x128xf32, #tpu.memory_space<hbm>>)
    %dma_wait3A_150 = arith.constant 49 : i32
    %dma_wait3A_151 = arith.constant 4 : i32
    %dma_wait3A_152 = arith.constant 32 : i32
    %dma_wait3A_153 = arith.constant 0 : i32
    %dma_wait3A_154 = tpu.memref_slice %arg8[%dma_wait3A_152, %dma_wait3A_153] : memref<64x129xf32, #tpu.memory_space<vmem>> -> memref<8x128xf32, #tpu.memory_space<vmem>>
    %dma_wait3A_155 = arith.constant 0 : i32
    %dma_wait3A_156 = arith.constant 0 : i32
    %dma_wait3A_157 = tpu.memref_slice %arg4[%dma_wait3A_150, %dma_wait3A_151, %add3A_74, %dma_wait3A_155, %dma_wait3A_156] : memref<50x8x128x8x128xf32, #tpu.memory_space<hbm>> -> memref<1x1x1x8x128xf32, #tpu.memory_space<hbm>>
    %dma_wait3A_158 = tpu.memref_squeeze %dma_wait3A_157 : memref<1x1x1x8x128xf32, #tpu.memory_space<hbm>> -> memref<8x128xf32, #tpu.memory_space<hbm>>
    %dma_wait3A_159 = arith.constant 0 : i32
    %dma_wait3A_160 = arith.constant 0 : i32
    %dma_wait3A_161 = tpu.memref_slice %arg4[%dma_wait3A_150, %dma_wait3A_151, %add3A_74, %dma_wait3A_159, %dma_wait3A_160] : memref<50x8x128x8x128xf32, #tpu.memory_space<hbm>> -> memref<1x1x1x8x128xf32, #tpu.memory_space<hbm>>
    %dma_wait3A_162 = tpu.memref_squeeze %dma_wait3A_161 : memref<1x1x1x8x128xf32, #tpu.memory_space<hbm>> -> memref<8x128xf32, #tpu.memory_space<hbm>>
    %dma_wait3A_163 = arith.constant 32 : i32
    %dma_wait3A_164 = arith.constant 0 : i32
    %dma_wait3A_165 = tpu.memref_slice %arg8[%dma_wait3A_163, %dma_wait3A_164] : memref<64x129xf32, #tpu.memory_space<vmem>> -> memref<8x128xf32, #tpu.memory_space<vmem>>
    tpu.wait_dma2 semaphore(%arg12 : memref<!tpu.dma_semaphore, #tpu.memory_space<semaphore_mem>>) src(%dma_wait3A_165 : memref<8x128xf32, #tpu.memory_space<vmem>>) dst(%dma_wait3A_162 : memref<8x128xf32, #tpu.memory_space<hbm>>)
    %dma_wait3A_166 = arith.constant 49 : i32
    %dma_wait3A_167 = arith.constant 5 : i32
    %dma_wait3A_168 = arith.constant 40 : i32
    %dma_wait3A_169 = arith.constant 0 : i32
    %dma_wait3A_170 = tpu.memref_slice %arg8[%dma_wait3A_168, %dma_wait3A_169] : memref<64x129xf32, #tpu.memory_space<vmem>> -> memref<8x128xf32, #tpu.memory_space<vmem>>
    %dma_wait3A_171 = arith.constant 0 : i32
    %dma_wait3A_172 = arith.constant 0 : i32
    %dma_wait3A_173 = tpu.memref_slice %arg4[%dma_wait3A_166, %dma_wait3A_167, %add3A_78, %dma_wait3A_171, %dma_wait3A_172] : memref<50x8x128x8x128xf32, #tpu.memory_space<hbm>> -> memref<1x1x1x8x128xf32, #tpu.memory_space<hbm>>
    %dma_wait3A_174 = tpu.memref_squeeze %dma_wait3A_173 : memref<1x1x1x8x128xf32, #tpu.memory_space<hbm>> -> memref<8x128xf32, #tpu.memory_space<hbm>>
    %dma_wait3A_175 = arith.constant 0 : i32
    %dma_wait3A_176 = arith.constant 0 : i32
    %dma_wait3A_177 = tpu.memref_slice %arg4[%dma_wait3A_166, %dma_wait3A_167, %add3A_78, %dma_wait3A_175, %dma_wait3A_176] : memref<50x8x128x8x128xf32, #tpu.memory_space<hbm>> -> memref<1x1x1x8x128xf32, #tpu.memory_space<hbm>>
    %dma_wait3A_178 = tpu.memref_squeeze %dma_wait3A_177 : memref<1x1x1x8x128xf32, #tpu.memory_space<hbm>> -> memref<8x128xf32, #tpu.memory_space<hbm>>
    %dma_wait3A_179 = arith.constant 40 : i32
    %dma_wait3A_180 = arith.constant 0 : i32
    %dma_wait3A_181 = tpu.memref_slice %arg8[%dma_wait3A_179, %dma_wait3A_180] : memref<64x129xf32, #tpu.memory_space<vmem>> -> memref<8x128xf32, #tpu.memory_space<vmem>>
    tpu.wait_dma2 semaphore(%arg12 : memref<!tpu.dma_semaphore, #tpu.memory_space<semaphore_mem>>) src(%dma_wait3A_181 : memref<8x128xf32, #tpu.memory_space<vmem>>) dst(%dma_wait3A_178 : memref<8x128xf32, #tpu.memory_space<hbm>>)
    %dma_wait3A_182 = arith.constant 49 : i32
    %dma_wait3A_183 = arith.constant 6 : i32
    %dma_wait3A_184 = arith.constant 48 : i32
    %dma_wait3A_185 = arith.constant 0 : i32
    %dma_wait3A_186 = tpu.memref_slice %arg8[%dma_wait3A_184, %dma_wait3A_185] : memref<64x129xf32, #tpu.memory_space<vmem>> -> memref<8x128xf32, #tpu.memory_space<vmem>>
    %dma_wait3A_187 = arith.constant 0 : i32
    %dma_wait3A_188 = arith.constant 0 : i32
    %dma_wait3A_189 = tpu.memref_slice %arg4[%dma_wait3A_182, %dma_wait3A_183, %add3A_82, %dma_wait3A_187, %dma_wait3A_188] : memref<50x8x128x8x128xf32, #tpu.memory_space<hbm>> -> memref<1x1x1x8x128xf32, #tpu.memory_space<hbm>>
    %dma_wait3A_190 = tpu.memref_squeeze %dma_wait3A_189 : memref<1x1x1x8x128xf32, #tpu.memory_space<hbm>> -> memref<8x128xf32, #tpu.memory_space<hbm>>
    %dma_wait3A_191 = arith.constant 0 : i32
    %dma_wait3A_192 = arith.constant 0 : i32
    %dma_wait3A_193 = tpu.memref_slice %arg4[%dma_wait3A_182, %dma_wait3A_183, %add3A_82, %dma_wait3A_191, %dma_wait3A_192] : memref<50x8x128x8x128xf32, #tpu.memory_space<hbm>> -> memref<1x1x1x8x128xf32, #tpu.memory_space<hbm>>
    %dma_wait3A_194 = tpu.memref_squeeze %dma_wait3A_193 : memref<1x1x1x8x128xf32, #tpu.memory_space<hbm>> -> memref<8x128xf32, #tpu.memory_space<hbm>>
    %dma_wait3A_195 = arith.constant 48 : i32
    %dma_wait3A_196 = arith.constant 0 : i32
    %dma_wait3A_197 = tpu.memref_slice %arg8[%dma_wait3A_195, %dma_wait3A_196] : memref<64x129xf32, #tpu.memory_space<vmem>> -> memref<8x128xf32, #tpu.memory_space<vmem>>
    tpu.wait_dma2 semaphore(%arg12 : memref<!tpu.dma_semaphore, #tpu.memory_space<semaphore_mem>>) src(%dma_wait3A_197 : memref<8x128xf32, #tpu.memory_space<vmem>>) dst(%dma_wait3A_194 : memref<8x128xf32, #tpu.memory_space<hbm>>)
    %dma_wait3A_198 = arith.constant 49 : i32
    %dma_wait3A_199 = arith.constant 7 : i32
    %dma_wait3A_200 = arith.constant 56 : i32
    %dma_wait3A_201 = arith.constant 0 : i32
    %dma_wait3A_202 = tpu.memref_slice %arg8[%dma_wait3A_200, %dma_wait3A_201] : memref<64x129xf32, #tpu.memory_space<vmem>> -> memref<8x128xf32, #tpu.memory_space<vmem>>
    %dma_wait3A_203 = arith.constant 0 : i32
    %dma_wait3A_204 = arith.constant 0 : i32
    %dma_wait3A_205 = tpu.memref_slice %arg4[%dma_wait3A_198, %dma_wait3A_199, %add3A_86, %dma_wait3A_203, %dma_wait3A_204] : memref<50x8x128x8x128xf32, #tpu.memory_space<hbm>> -> memref<1x1x1x8x128xf32, #tpu.memory_space<hbm>>
    %dma_wait3A_206 = tpu.memref_squeeze %dma_wait3A_205 : memref<1x1x1x8x128xf32, #tpu.memory_space<hbm>> -> memref<8x128xf32, #tpu.memory_space<hbm>>
    %dma_wait3A_207 = arith.constant 0 : i32
    %dma_wait3A_208 = arith.constant 0 : i32
    %dma_wait3A_209 = tpu.memref_slice %arg4[%dma_wait3A_198, %dma_wait3A_199, %add3A_86, %dma_wait3A_207, %dma_wait3A_208] : memref<50x8x128x8x128xf32, #tpu.memory_space<hbm>> -> memref<1x1x1x8x128xf32, #tpu.memory_space<hbm>>
    %dma_wait3A_210 = tpu.memref_squeeze %dma_wait3A_209 : memref<1x1x1x8x128xf32, #tpu.memory_space<hbm>> -> memref<8x128xf32, #tpu.memory_space<hbm>>
    %dma_wait3A_211 = arith.constant 56 : i32
    %dma_wait3A_212 = arith.constant 0 : i32
    %dma_wait3A_213 = tpu.memref_slice %arg8[%dma_wait3A_211, %dma_wait3A_212] : memref<64x129xf32, #tpu.memory_space<vmem>> -> memref<8x128xf32, #tpu.memory_space<vmem>>
    tpu.wait_dma2 semaphore(%arg12 : memref<!tpu.dma_semaphore, #tpu.memory_space<semaphore_mem>>) src(%dma_wait3A_213 : memref<8x128xf32, #tpu.memory_space<vmem>>) dst(%dma_wait3A_210 : memref<8x128xf32, #tpu.memory_space<hbm>>)
    %mul3A_214 = arith.constant 4 : i32
    %mul3A_215 = arith.muli %add3A, %mul3A_214 : i32
    %add3A_216 = arith.constant 3 : i32
    %add3A_217 = arith.addi %mul3A_215, %add3A_216 : i32
    %mul3A_218 = arith.constant 4 : i32
    %mul3A_219 = arith.muli %add3A, %mul3A_218 : i32
    %add3A_220 = arith.constant 3 : i32
    %add3A_221 = arith.addi %mul3A_219, %add3A_220 : i32
    %mul3A_222 = arith.constant 4 : i32
    %mul3A_223 = arith.muli %add3A, %mul3A_222 : i32
    %add3A_224 = arith.constant 3 : i32
    %add3A_225 = arith.addi %mul3A_223, %add3A_224 : i32
    %mul3A_226 = arith.constant 4 : i32
    %mul3A_227 = arith.muli %add3A, %mul3A_226 : i32
    %add3A_228 = arith.constant 3 : i32
    %add3A_229 = arith.addi %mul3A_227, %add3A_228 : i32
    %mul3A_230 = arith.constant 4 : i32
    %mul3A_231 = arith.muli %add3A, %mul3A_230 : i32
    %add3A_232 = arith.constant 3 : i32
    %add3A_233 = arith.addi %mul3A_231, %add3A_232 : i32
    %mul3A_234 = arith.constant 4 : i32
    %mul3A_235 = arith.muli %add3A, %mul3A_234 : i32
    %add3A_236 = arith.constant 3 : i32
    %add3A_237 = arith.addi %mul3A_235, %add3A_236 : i32
    %mul3A_238 = arith.constant 4 : i32
    %mul3A_239 = arith.muli %add3A, %mul3A_238 : i32
    %add3A_240 = arith.constant 3 : i32
    %add3A_241 = arith.addi %mul3A_239, %add3A_240 : i32
    %mul3A_242 = arith.constant 4 : i32
    %mul3A_243 = arith.muli %add3A, %mul3A_242 : i32
    %add3A_244 = arith.constant 3 : i32
    %add3A_245 = arith.addi %mul3A_243, %add3A_244 : i32
    %dma_wait3A_246 = arith.constant 49 : i32
    %dma_wait3A_247 = arith.constant 0 : i32
    %dma_wait3A_248 = arith.constant 0 : i32
    %dma_wait3A_249 = arith.constant 0 : i32
    %dma_wait3A_250 = tpu.memref_slice %arg9[%dma_wait3A_248, %dma_wait3A_249] : memref<64x129xf32, #tpu.memory_space<vmem>> -> memref<8x128xf32, #tpu.memory_space<vmem>>
    %dma_wait3A_251 = arith.constant 0 : i32
    %dma_wait3A_252 = arith.constant 0 : i32
    %dma_wait3A_253 = tpu.memref_slice %arg4[%dma_wait3A_246, %dma_wait3A_247, %add3A_217, %dma_wait3A_251, %dma_wait3A_252] : memref<50x8x128x8x128xf32, #tpu.memory_space<hbm>> -> memref<1x1x1x8x128xf32, #tpu.memory_space<hbm>>
    %dma_wait3A_254 = tpu.memref_squeeze %dma_wait3A_253 : memref<1x1x1x8x128xf32, #tpu.memory_space<hbm>> -> memref<8x128xf32, #tpu.memory_space<hbm>>
    %dma_wait3A_255 = arith.constant 0 : i32
    %dma_wait3A_256 = arith.constant 0 : i32
    %dma_wait3A_257 = tpu.memref_slice %arg4[%dma_wait3A_246, %dma_wait3A_247, %add3A_217, %dma_wait3A_255, %dma_wait3A_256] : memref<50x8x128x8x128xf32, #tpu.memory_space<hbm>> -> memref<1x1x1x8x128xf32, #tpu.memory_space<hbm>>
    %dma_wait3A_258 = tpu.memref_squeeze %dma_wait3A_257 : memref<1x1x1x8x128xf32, #tpu.memory_space<hbm>> -> memref<8x128xf32, #tpu.memory_space<hbm>>
    %dma_wait3A_259 = arith.constant 0 : i32
    %dma_wait3A_260 = arith.constant 0 : i32
    %dma_wait3A_261 = tpu.memref_slice %arg9[%dma_wait3A_259, %dma_wait3A_260] : memref<64x129xf32, #tpu.memory_space<vmem>> -> memref<8x128xf32, #tpu.memory_space<vmem>>
    tpu.wait_dma2 semaphore(%arg13 : memref<!tpu.dma_semaphore, #tpu.memory_space<semaphore_mem>>) src(%dma_wait3A_261 : memref<8x128xf32, #tpu.memory_space<vmem>>) dst(%dma_wait3A_258 : memref<8x128xf32, #tpu.memory_space<hbm>>)
    %dma_wait3A_262 = arith.constant 49 : i32
    %dma_wait3A_263 = arith.constant 1 : i32
    %dma_wait3A_264 = arith.constant 8 : i32
    %dma_wait3A_265 = arith.constant 0 : i32
    %dma_wait3A_266 = tpu.memref_slice %arg9[%dma_wait3A_264, %dma_wait3A_265] : memref<64x129xf32, #tpu.memory_space<vmem>> -> memref<8x128xf32, #tpu.memory_space<vmem>>
    %dma_wait3A_267 = arith.constant 0 : i32
    %dma_wait3A_268 = arith.constant 0 : i32
    %dma_wait3A_269 = tpu.memref_slice %arg4[%dma_wait3A_262, %dma_wait3A_263, %add3A_221, %dma_wait3A_267, %dma_wait3A_268] : memref<50x8x128x8x128xf32, #tpu.memory_space<hbm>> -> memref<1x1x1x8x128xf32, #tpu.memory_space<hbm>>
    %dma_wait3A_270 = tpu.memref_squeeze %dma_wait3A_269 : memref<1x1x1x8x128xf32, #tpu.memory_space<hbm>> -> memref<8x128xf32, #tpu.memory_space<hbm>>
    %dma_wait3A_271 = arith.constant 0 : i32
    %dma_wait3A_272 = arith.constant 0 : i32
    %dma_wait3A_273 = tpu.memref_slice %arg4[%dma_wait3A_262, %dma_wait3A_263, %add3A_221, %dma_wait3A_271, %dma_wait3A_272] : memref<50x8x128x8x128xf32, #tpu.memory_space<hbm>> -> memref<1x1x1x8x128xf32, #tpu.memory_space<hbm>>
    %dma_wait3A_274 = tpu.memref_squeeze %dma_wait3A_273 : memref<1x1x1x8x128xf32, #tpu.memory_space<hbm>> -> memref<8x128xf32, #tpu.memory_space<hbm>>
    %dma_wait3A_275 = arith.constant 8 : i32
    %dma_wait3A_276 = arith.constant 0 : i32
    %dma_wait3A_277 = tpu.memref_slice %arg9[%dma_wait3A_275, %dma_wait3A_276] : memref<64x129xf32, #tpu.memory_space<vmem>> -> memref<8x128xf32, #tpu.memory_space<vmem>>
    tpu.wait_dma2 semaphore(%arg13 : memref<!tpu.dma_semaphore, #tpu.memory_space<semaphore_mem>>) src(%dma_wait3A_277 : memref<8x128xf32, #tpu.memory_space<vmem>>) dst(%dma_wait3A_274 : memref<8x128xf32, #tpu.memory_space<hbm>>)
    %dma_wait3A_278 = arith.constant 49 : i32
    %dma_wait3A_279 = arith.constant 2 : i32
    %dma_wait3A_280 = arith.constant 16 : i32
    %dma_wait3A_281 = arith.constant 0 : i32
    %dma_wait3A_282 = tpu.memref_slice %arg9[%dma_wait3A_280, %dma_wait3A_281] : memref<64x129xf32, #tpu.memory_space<vmem>> -> memref<8x128xf32, #tpu.memory_space<vmem>>
    %dma_wait3A_283 = arith.constant 0 : i32
    %dma_wait3A_284 = arith.constant 0 : i32
    %dma_wait3A_285 = tpu.memref_slice %arg4[%dma_wait3A_278, %dma_wait3A_279, %add3A_225, %dma_wait3A_283, %dma_wait3A_284] : memref<50x8x128x8x128xf32, #tpu.memory_space<hbm>> -> memref<1x1x1x8x128xf32, #tpu.memory_space<hbm>>
    %dma_wait3A_286 = tpu.memref_squeeze %dma_wait3A_285 : memref<1x1x1x8x128xf32, #tpu.memory_space<hbm>> -> memref<8x128xf32, #tpu.memory_space<hbm>>
    %dma_wait3A_287 = arith.constant 0 : i32
    %dma_wait3A_288 = arith.constant 0 : i32
    %dma_wait3A_289 = tpu.memref_slice %arg4[%dma_wait3A_278, %dma_wait3A_279, %add3A_225, %dma_wait3A_287, %dma_wait3A_288] : memref<50x8x128x8x128xf32, #tpu.memory_space<hbm>> -> memref<1x1x1x8x128xf32, #tpu.memory_space<hbm>>
    %dma_wait3A_290 = tpu.memref_squeeze %dma_wait3A_289 : memref<1x1x1x8x128xf32, #tpu.memory_space<hbm>> -> memref<8x128xf32, #tpu.memory_space<hbm>>
    %dma_wait3A_291 = arith.constant 16 : i32
    %dma_wait3A_292 = arith.constant 0 : i32
    %dma_wait3A_293 = tpu.memref_slice %arg9[%dma_wait3A_291, %dma_wait3A_292] : memref<64x129xf32, #tpu.memory_space<vmem>> -> memref<8x128xf32, #tpu.memory_space<vmem>>
    tpu.wait_dma2 semaphore(%arg13 : memref<!tpu.dma_semaphore, #tpu.memory_space<semaphore_mem>>) src(%dma_wait3A_293 : memref<8x128xf32, #tpu.memory_space<vmem>>) dst(%dma_wait3A_290 : memref<8x128xf32, #tpu.memory_space<hbm>>)
    %dma_wait3A_294 = arith.constant 49 : i32
    %dma_wait3A_295 = arith.constant 3 : i32
    %dma_wait3A_296 = arith.constant 24 : i32
    %dma_wait3A_297 = arith.constant 0 : i32
    %dma_wait3A_298 = tpu.memref_slice %arg9[%dma_wait3A_296, %dma_wait3A_297] : memref<64x129xf32, #tpu.memory_space<vmem>> -> memref<8x128xf32, #tpu.memory_space<vmem>>
    %dma_wait3A_299 = arith.constant 0 : i32
    %dma_wait3A_300 = arith.constant 0 : i32
    %dma_wait3A_301 = tpu.memref_slice %arg4[%dma_wait3A_294, %dma_wait3A_295, %add3A_229, %dma_wait3A_299, %dma_wait3A_300] : memref<50x8x128x8x128xf32, #tpu.memory_space<hbm>> -> memref<1x1x1x8x128xf32, #tpu.memory_space<hbm>>
    %dma_wait3A_302 = tpu.memref_squeeze %dma_wait3A_301 : memref<1x1x1x8x128xf32, #tpu.memory_space<hbm>> -> memref<8x128xf32, #tpu.memory_space<hbm>>
    %dma_wait3A_303 = arith.constant 0 : i32
    %dma_wait3A_304 = arith.constant 0 : i32
    %dma_wait3A_305 = tpu.memref_slice %arg4[%dma_wait3A_294, %dma_wait3A_295, %add3A_229, %dma_wait3A_303, %dma_wait3A_304] : memref<50x8x128x8x128xf32, #tpu.memory_space<hbm>> -> memref<1x1x1x8x128xf32, #tpu.memory_space<hbm>>
    %dma_wait3A_306 = tpu.memref_squeeze %dma_wait3A_305 : memref<1x1x1x8x128xf32, #tpu.memory_space<hbm>> -> memref<8x128xf32, #tpu.memory_space<hbm>>
    %dma_wait3A_307 = arith.constant 24 : i32
    %dma_wait3A_308 = arith.constant 0 : i32
    %dma_wait3A_309 = tpu.memref_slice %arg9[%dma_wait3A_307, %dma_wait3A_308] : memref<64x129xf32, #tpu.memory_space<vmem>> -> memref<8x128xf32, #tpu.memory_space<vmem>>
    tpu.wait_dma2 semaphore(%arg13 : memref<!tpu.dma_semaphore, #tpu.memory_space<semaphore_mem>>) src(%dma_wait3A_309 : memref<8x128xf32, #tpu.memory_space<vmem>>) dst(%dma_wait3A_306 : memref<8x128xf32, #tpu.memory_space<hbm>>)
    %dma_wait3A_310 = arith.constant 49 : i32
    %dma_wait3A_311 = arith.constant 4 : i32
    %dma_wait3A_312 = arith.constant 32 : i32
    %dma_wait3A_313 = arith.constant 0 : i32
    %dma_wait3A_314 = tpu.memref_slice %arg9[%dma_wait3A_312, %dma_wait3A_313] : memref<64x129xf32, #tpu.memory_space<vmem>> -> memref<8x128xf32, #tpu.memory_space<vmem>>
    %dma_wait3A_315 = arith.constant 0 : i32
    %dma_wait3A_316 = arith.constant 0 : i32
    %dma_wait3A_317 = tpu.memref_slice %arg4[%dma_wait3A_310, %dma_wait3A_311, %add3A_233, %dma_wait3A_315, %dma_wait3A_316] : memref<50x8x128x8x128xf32, #tpu.memory_space<hbm>> -> memref<1x1x1x8x128xf32, #tpu.memory_space<hbm>>
    %dma_wait3A_318 = tpu.memref_squeeze %dma_wait3A_317 : memref<1x1x1x8x128xf32, #tpu.memory_space<hbm>> -> memref<8x128xf32, #tpu.memory_space<hbm>>
    %dma_wait3A_319 = arith.constant 0 : i32
    %dma_wait3A_320 = arith.constant 0 : i32
    %dma_wait3A_321 = tpu.memref_slice %arg4[%dma_wait3A_310, %dma_wait3A_311, %add3A_233, %dma_wait3A_319, %dma_wait3A_320] : memref<50x8x128x8x128xf32, #tpu.memory_space<hbm>> -> memref<1x1x1x8x128xf32, #tpu.memory_space<hbm>>
    %dma_wait3A_322 = tpu.memref_squeeze %dma_wait3A_321 : memref<1x1x1x8x128xf32, #tpu.memory_space<hbm>> -> memref<8x128xf32, #tpu.memory_space<hbm>>
    %dma_wait3A_323 = arith.constant 32 : i32
    %dma_wait3A_324 = arith.constant 0 : i32
    %dma_wait3A_325 = tpu.memref_slice %arg9[%dma_wait3A_323, %dma_wait3A_324] : memref<64x129xf32, #tpu.memory_space<vmem>> -> memref<8x128xf32, #tpu.memory_space<vmem>>
    tpu.wait_dma2 semaphore(%arg13 : memref<!tpu.dma_semaphore, #tpu.memory_space<semaphore_mem>>) src(%dma_wait3A_325 : memref<8x128xf32, #tpu.memory_space<vmem>>) dst(%dma_wait3A_322 : memref<8x128xf32, #tpu.memory_space<hbm>>)
    %dma_wait3A_326 = arith.constant 49 : i32
    %dma_wait3A_327 = arith.constant 5 : i32
    %dma_wait3A_328 = arith.constant 40 : i32
    %dma_wait3A_329 = arith.constant 0 : i32
    %dma_wait3A_330 = tpu.memref_slice %arg9[%dma_wait3A_328, %dma_wait3A_329] : memref<64x129xf32, #tpu.memory_space<vmem>> -> memref<8x128xf32, #tpu.memory_space<vmem>>
    %dma_wait3A_331 = arith.constant 0 : i32
    %dma_wait3A_332 = arith.constant 0 : i32
    %dma_wait3A_333 = tpu.memref_slice %arg4[%dma_wait3A_326, %dma_wait3A_327, %add3A_237, %dma_wait3A_331, %dma_wait3A_332] : memref<50x8x128x8x128xf32, #tpu.memory_space<hbm>> -> memref<1x1x1x8x128xf32, #tpu.memory_space<hbm>>
    %dma_wait3A_334 = tpu.memref_squeeze %dma_wait3A_333 : memref<1x1x1x8x128xf32, #tpu.memory_space<hbm>> -> memref<8x128xf32, #tpu.memory_space<hbm>>
    %dma_wait3A_335 = arith.constant 0 : i32
    %dma_wait3A_336 = arith.constant 0 : i32
    %dma_wait3A_337 = tpu.memref_slice %arg4[%dma_wait3A_326, %dma_wait3A_327, %add3A_237, %dma_wait3A_335, %dma_wait3A_336] : memref<50x8x128x8x128xf32, #tpu.memory_space<hbm>> -> memref<1x1x1x8x128xf32, #tpu.memory_space<hbm>>
    %dma_wait3A_338 = tpu.memref_squeeze %dma_wait3A_337 : memref<1x1x1x8x128xf32, #tpu.memory_space<hbm>> -> memref<8x128xf32, #tpu.memory_space<hbm>>
    %dma_wait3A_339 = arith.constant 40 : i32
    %dma_wait3A_340 = arith.constant 0 : i32
    %dma_wait3A_341 = tpu.memref_slice %arg9[%dma_wait3A_339, %dma_wait3A_340] : memref<64x129xf32, #tpu.memory_space<vmem>> -> memref<8x128xf32, #tpu.memory_space<vmem>>
    tpu.wait_dma2 semaphore(%arg13 : memref<!tpu.dma_semaphore, #tpu.memory_space<semaphore_mem>>) src(%dma_wait3A_341 : memref<8x128xf32, #tpu.memory_space<vmem>>) dst(%dma_wait3A_338 : memref<8x128xf32, #tpu.memory_space<hbm>>)
    %dma_wait3A_342 = arith.constant 49 : i32
    %dma_wait3A_343 = arith.constant 6 : i32
    %dma_wait3A_344 = arith.constant 48 : i32
    %dma_wait3A_345 = arith.constant 0 : i32
    %dma_wait3A_346 = tpu.memref_slice %arg9[%dma_wait3A_344, %dma_wait3A_345] : memref<64x129xf32, #tpu.memory_space<vmem>> -> memref<8x128xf32, #tpu.memory_space<vmem>>
    %dma_wait3A_347 = arith.constant 0 : i32
    %dma_wait3A_348 = arith.constant 0 : i32
    %dma_wait3A_349 = tpu.memref_slice %arg4[%dma_wait3A_342, %dma_wait3A_343, %add3A_241, %dma_wait3A_347, %dma_wait3A_348] : memref<50x8x128x8x128xf32, #tpu.memory_space<hbm>> -> memref<1x1x1x8x128xf32, #tpu.memory_space<hbm>>
    %dma_wait3A_350 = tpu.memref_squeeze %dma_wait3A_349 : memref<1x1x1x8x128xf32, #tpu.memory_space<hbm>> -> memref<8x128xf32, #tpu.memory_space<hbm>>
    %dma_wait3A_351 = arith.constant 0 : i32
    %dma_wait3A_352 = arith.constant 0 : i32
    %dma_wait3A_353 = tpu.memref_slice %arg4[%dma_wait3A_342, %dma_wait3A_343, %add3A_241, %dma_wait3A_351, %dma_wait3A_352] : memref<50x8x128x8x128xf32, #tpu.memory_space<hbm>> -> memref<1x1x1x8x128xf32, #tpu.memory_space<hbm>>
    %dma_wait3A_354 = tpu.memref_squeeze %dma_wait3A_353 : memref<1x1x1x8x128xf32, #tpu.memory_space<hbm>> -> memref<8x128xf32, #tpu.memory_space<hbm>>
    %dma_wait3A_355 = arith.constant 48 : i32
    %dma_wait3A_356 = arith.constant 0 : i32
    %dma_wait3A_357 = tpu.memref_slice %arg9[%dma_wait3A_355, %dma_wait3A_356] : memref<64x129xf32, #tpu.memory_space<vmem>> -> memref<8x128xf32, #tpu.memory_space<vmem>>
    tpu.wait_dma2 semaphore(%arg13 : memref<!tpu.dma_semaphore, #tpu.memory_space<semaphore_mem>>) src(%dma_wait3A_357 : memref<8x128xf32, #tpu.memory_space<vmem>>) dst(%dma_wait3A_354 : memref<8x128xf32, #tpu.memory_space<hbm>>)
    %dma_wait3A_358 = arith.constant 49 : i32
    %dma_wait3A_359 = arith.constant 7 : i32
    %dma_wait3A_360 = arith.constant 56 : i32
    %dma_wait3A_361 = arith.constant 0 : i32
    %dma_wait3A_362 = tpu.memref_slice %arg9[%dma_wait3A_360, %dma_wait3A_361] : memref<64x129xf32, #tpu.memory_space<vmem>> -> memref<8x128xf32, #tpu.memory_space<vmem>>
    %dma_wait3A_363 = arith.constant 0 : i32
    %dma_wait3A_364 = arith.constant 0 : i32
    %dma_wait3A_365 = tpu.memref_slice %arg4[%dma_wait3A_358, %dma_wait3A_359, %add3A_245, %dma_wait3A_363, %dma_wait3A_364] : memref<50x8x128x8x128xf32, #tpu.memory_space<hbm>> -> memref<1x1x1x8x128xf32, #tpu.memory_space<hbm>>
    %dma_wait3A_366 = tpu.memref_squeeze %dma_wait3A_365 : memref<1x1x1x8x128xf32, #tpu.memory_space<hbm>> -> memref<8x128xf32, #tpu.memory_space<hbm>>
    %dma_wait3A_367 = arith.constant 0 : i32
    %dma_wait3A_368 = arith.constant 0 : i32
    %dma_wait3A_369 = tpu.memref_slice %arg4[%dma_wait3A_358, %dma_wait3A_359, %add3A_245, %dma_wait3A_367, %dma_wait3A_368] : memref<50x8x128x8x128xf32, #tpu.memory_space<hbm>> -> memref<1x1x1x8x128xf32, #tpu.memory_space<hbm>>
    %dma_wait3A_370 = tpu.memref_squeeze %dma_wait3A_369 : memref<1x1x1x8x128xf32, #tpu.memory_space<hbm>> -> memref<8x128xf32, #tpu.memory_space<hbm>>
    %dma_wait3A_371 = arith.constant 56 : i32
    %dma_wait3A_372 = arith.constant 0 : i32
    %dma_wait3A_373 = tpu.memref_slice %arg9[%dma_wait3A_371, %dma_wait3A_372] : memref<64x129xf32, #tpu.memory_space<vmem>> -> memref<8x128xf32, #tpu.memory_space<vmem>>
    tpu.wait_dma2 semaphore(%arg13 : memref<!tpu.dma_semaphore, #tpu.memory_space<semaphore_mem>>) src(%dma_wait3A_373 : memref<8x128xf32, #tpu.memory_space<vmem>>) dst(%dma_wait3A_370 : memref<8x128xf32, #tpu.memory_space<hbm>>)
    return
  }
}

</mosaic_0001>

<sc_bundles>
// kernel: kernel.3.cloned.1.call-start
scs
__scs_entry_jumppad:
0x0: {  	(pc) =	sbr.rel $0x88, $3  }
0x1: {  	(tag) =	ssettag $0x0;
	lr =	simm.s32 $0x1  }
0x2: {  	[smem:$0x3F9F] =	sst lr;
	_ =	strace $0xD0000000  }
0x3: {  	_ = 	snop  }
0x4: {  	_ = 	snop  }
0x5: {  	_ = 	snop  }
0x6: {  	_ = 	snop  }
0x7: {  	_ = 	snop  }
__scs_overlays_trampoline_lowered:
0x8: {  	[smem:$0x3FAE] =	sst s0  }
0x9: {  	[smem:$0x3FAF] =	sst s1  }
0xa: {  	[smem:$0x3FB0] =	sst s2  }
0xb: {  	[smem:$0x3FB1] =	sst s3  }
0xc: {  	[smem:$0x3FB2] =	sst s4  }
0xd: {  	[smem:$0x3FB3] =	sst s5  }
0xe: {  	[smem:$0x3FB4] =	sst s6  }
0xf: {  	[smem:$0x3FB5] =	sst s7  }
0x10: {  	[smem:$0x3FB6] =	sst s8  }
0x11: {  	[smem:$0x3FB7] =	sst s9;
	s0 =	simm.s32 @!p0 $0x0  }
0x12: {  	s1 =	sld [smem:$0x3F9D];
	s0 =	simm.s32 @p0 $0x1  }
0x13: {  	[smem:$0x3FB8] =	sst s0;
	s0 =	simm.s32 @!p1 $0x0  }
0x14: {  	s2 =	sld [smem:$0x3F9C];
	s0 =	simm.s32 @p1 $0x1  }
0x15: {  	[smem:$0x3FB9] =	sst s0;
	s0 =	simm.s32 @!p2 $0x0  }
0x16: {  	s3 =	sld [smem:$0x3FDB];
	s0 =	simm.s32 @p2 $0x1  }
0x17: {  	s4 =	simm.s32 $0x1BF5;
	[smem:$0x3FBB] =	sst s0  }
0x18: {  	s0 =	sld [smem:$0x3F9E];
	_ =	swait.ge [sflag:s4], $0x0  }
0x19: {  	s7 =	sld [smem:$0x3F9F]  }
0x1a: {  	s8 =	sadd.s32 $0xFFFFE003, lr  }
0x1b: {  	s9 =	sadd.s32 $0xFFFFFEF7, lr;
	s5 =	simm.s32 $0xFFFFFFFF;
	p2 =	slt.u32 s8, $0xFFFFF086  }
0x1c: {  	p1 =	slt.u32 s9, $0xF7A;
	s5 =	simm.s32 @!p2 $0x0  }
0x1d: {  	s5 =	simm.s32 @p1 $0x1;
	p0 =	seq.s32 s7, s2  }
0x1e: {  	s7 =	smul.u32 @!p0 $0xF7A, s2;
	p2 =	seq.s32 @!p0 s5, $0x0  }
0x1f: {  	s9 =	smul.u32 $0xF7A, s1;
	s8 =	simm.s32 @!p0 $0x1BF5;
	p2 =	por !p2, p0  }
0x20: {  	[sflag:s8] =	ssyncset.s32 @!p0 $0xFFFFF086;
	s6 =	sadd.s32 @!p0 s3, s7;
	s7 =	simm.s32 @!p0 $0x108  }
0x21: {  	s3 =	sadd.s32 s3, s9;
	s6 =	sadd.s32 @!p0 $0x88, s6;
	s7 =	simm.s32 @p2 $0x1082  }
0x22: {  	[simem:s7], [sflag:s8] =	dma.local @!p0 [hbm:s6], $0xF7A  }
0x23: {  	s9 =	sor.u32 $0xD0000000, s2;
	s6 =	simm.s32 $0x108;
	_ =	swait.ge @!p0 [sflag:s8], $0x0  }
0x24: {  	s3 =	sadd.s32 $0x88, s3;
	s6 =	simm.s32 @!p1 $0x1082;
	[sflag:s4] =	ssyncset.s32 $0xFFFFF086  }
0x25: {  	[simem:s6], [sflag:s4] =	dma.local [hbm:s3], $0xF7A  }
0x26: {  	[smem:$0x3F9F] =	sst s1;
	(tag) =	ssettag s2;
	_ =	strace s9  }
0x27: {  	s1 =	sld [smem:$0x3FAF]  }
0x28: {  	s2 =	sld [smem:$0x3FB0]  }
0x29: {  	s4 =	sld [smem:$0x3FB2]  }
0x2a: {  	p0 =	seq.s32 s5, $0x0;
	s5 =	sld [smem:$0x3FB3]  }
0x2b: {  	s6 =	sld [smem:$0x3FB4]  }
0x2c: {  	s7 =	sld [smem:$0x3FB5]  }
0x2d: {  	s3 =	simm.s32 $0x108;
	s8 =	sld [smem:$0x3FB6]  }
0x2e: {  	s3 =	simm.s32 @!p0 $0x1082;
	s9 =	sld [smem:$0x3FB7]  }
0x2f: {  	lr =	sadd.s32 s0, s3;
	s0 =	sld [smem:$0x3FAE]  }
0x30: {  	s3 =	sld [smem:$0x3FB1]  }
0x31: {  	[smem:$0x3FBA] =	sst s10  }
0x32: {  	s10 =	sld [smem:$0x3FB8];
	_ =	sdelay $0x3  }
0x33: {  	p0 =	seq.s32 s10, $0x1;
	s10 =	sld [smem:$0x3FBA];
	_ =	sdelay $0x3  }
0x34: {  	[smem:$0x3FBA] =	sst s10  }
0x35: {  	s10 =	sld [smem:$0x3FB9];
	_ =	sdelay $0x3  }
0x36: {  	p1 =	seq.s32 s10, $0x1;
	s10 =	sld [smem:$0x3FBA];
	_ =	sdelay $0x3  }
0x37: {  	[smem:$0x3FBA] =	sst s10  }
0x38: {  	s10 =	sld [smem:$0x3FBB]  }
0x39: {  	_ = 	snop;
	(pc) =	sbr.ind lr, $3  }
0x3a: {  	_ = 	snop  }
0x3b: {  	_ = 	snop  }
0x3c: {  	p2 =	seq.s32 s10, $0x1;
	s10 =	sld [smem:$0x3FBA]  }
0x3d: {  	_ =	shalt  }
0x3e: {  	_ =	shalt  }
0x3f: {  	_ =	shalt  }
0x40: {  	_ =	shalt  }
0x41: {  	_ =	shalt  }
0x42: {  	_ =	shalt  }
0x43: {  	_ =	shalt  }
0x44: {  	_ =	shalt  }
0x45: {  	_ =	shalt  }
0x46: {  	_ =	shalt  }
0x47: {  	_ =	shalt  }
0x48: {  	_ =	shalt  }
0x49: {  	_ =	shalt  }
0x4a: {  	_ =	shalt  }
0x4b: {  	_ =	shalt  }
0x4c: {  	_ =	shalt  }
0x4d: {  	_ =	shalt  }
0x4e: {  	_ =	shalt  }
0x4f: {  	_ =	shalt  }
0x50: {  	_ =	shalt  }
0x51: {  	_ =	shalt  }
0x52: {  	_ =	shalt  }
0x53: {  	_ =	shalt  }
0x54: {  	_ =	shalt  }
0x55: {  	_ =	shalt  }
0x56: {  	_ =	shalt  }
0x57: {  	_ =	shalt  }
0x58: {  	_ =	shalt  }
0x59: {  	_ =	shalt  }
0x5a: {  	_ =	shalt  }
0x5b: {  	_ =	shalt  }
0x5c: {  	_ =	shalt  }
0x5d: {  	_ =	shalt  }
0x5e: {  	_ =	shalt  }
0x5f: {  	_ =	shalt  }
0x60: {  	_ =	shalt  }
0x61: {  	_ =	shalt  }
0x62: {  	_ =	shalt  }
0x63: {  	_ =	shalt  }
0x64: {  	_ =	shalt  }
0x65: {  	_ =	shalt  }
0x66: {  	_ =	shalt  }
0x67: {  	_ =	shalt  }
0x68: {  	_ =	shalt  }
0x69: {  	_ =	shalt  }
0x6a: {  	_ =	shalt  }
0x6b: {  	_ =	shalt  }
0x6c: {  	_ =	shalt  }
0x6d: {  	_ =	shalt  }
0x6e: {  	_ =	shalt  }
0x6f: {  	_ =	shalt  }
0x70: {  	_ =	shalt  }
0x71: {  	_ =	shalt  }
0x72: {  	_ =	shalt  }
0x73: {  	_ =	shalt  }
0x74: {  	_ =	shalt  }
0x75: {  	_ =	shalt  }
0x76: {  	_ =	shalt  }
0x77: {  	_ =	shalt  }
0x78: {  	_ =	shalt  }
0x79: {  	_ =	shalt  }
0x7a: {  	_ =	shalt  }
0x7b: {  	_ =	shalt  }
0x7c: {  	_ =	shalt  }
0x7d: {  	_ =	shalt  }
0x7e: {  	_ =	shalt  }
0x7f: {  	_ =	shalt  }
0x80: {  	_ =	shalt  }
0x81: {  	_ =	shalt  }
0x82: {  	_ =	shalt  }
0x83: {  	_ =	shalt  }
0x84: {  	_ =	shalt  }
0x85: {  	_ =	shalt  }
0x86: {  	_ =	shalt  }
0x87: {  	_ =	shalt  }
.Lfunc_end0:
.L_simem_size_0:
called_computation_lowered:
.L_overlay_start_0:
0x88: {  	s2 =	sld [smem:$0x3FD9]  }
0x89: {  	s3 =	sld [smem:$0x3FFE];
	_ =	sdelay $0x1  }
0x8a: {  	s1 =	srdreg.scid  }
0x8b: {  	s0 =	sand.u32 $0x1, s1  }
0x8c: {  	s17 =	sshll.u32 s0, $0xA;
	s2 =	sadd.s32 s3, s2  }
0x8d: {  	s2 =	sadd.s32 s2, s17  }
0x8e: {  	[smem:$0x3FC6] =	sst s2  }
0x8f: {  	_ = 	snop  }
0x90: {  	s2 =	sld [smem:$0x3FD0];
	(tm) =	ssettm $0x1  }
0x91: {  	s18 =	sld [smem:$0x3FFB];
	_ =	sdelay $0x3  }
0x92: {  	_ =	strace s18  }
0x93: {  	s3 =	sld [smem:$0x3FFC];
	_ =	sdelay $0x3  }
0x94: {  	_ =	strace s3  }
0x95: {  	s3 =	sld [smem:$0x3FFD];
	_ =	sdelay $0x3  }
0x96: {  	_ =	strace s3  }
0x97: {  	_ =	strace $0x8FFFFFFF  }
0x98: {  	s19 =	sld [smem:$0x3FDB];
	_ =	sdelay $0x1  }
0x99: {  	s4 =	simm.s32 $_scs_section_size  }
0x9a: {  	s5 =	simm.s32 $_size__tile_overlayer_lowered;
	s6 =	simm.s32 $_tile_overlayer_lowered  }
0x9b: {  	s22 =	simm.s32 $0x1BFF;
	s21 =	sshll.u32 s6, $0x1;
	s3 =	sadd.s32 s4, s19  }
0x9c: {  	s7 =	simm.s32 $0x0;
	s20 =	sshll.u32 s5, $0x1;
	s5 =	sadd.s32 s21, s3  }
0x9d: {  	[timem:s7], [sflag:s22] =	dma.local [hbm:s5], s20  }
0x9e: {  	_ =	swait.ge [sflag:s22], s20  }
0x9f: {  	s4 =	ssub.s32 $0x0, s20;
	[sflag:s22] =	ssyncset.done $0x0  }
0xa0: {  	[sflag:s22] =	ssyncadd.s32 s4;
	_ =	sdelay $0x1  }
0xa1: {  	s23 =	simm.s32 $0x1B8B  }
0xa2: {  	_ =	swait.ge [sflag:s23], $0x1  }
0xa3: {  	[sflag:s23] =	ssyncset.done $0x0  }
0xa4: {  	s25 =	simm.s32 $0x1B8E;
	s24 =	sld [smem:$0x3FFE];
	[sflag:s23] =	ssyncadd.s32 $0xFFFFFFFF  }
0xa5: {  	s26 =	simm.s32 $execute0_lowered;
	[smem:$0x3FD2] =	sst s25  }
0xa6: {  	s5 =	sshll.u32 s26, $0x1;
	_ =	strace $0x80000046;
	[dreg:$0x1] =	wrdreg $0xFFFFFFFF  }
0xa7: {  	s28 =	simm.s32 $_size_execute0_lowered;
	s3 =	sadd.s32 s3, s5;
	[dreg:$0x0] =	wrdreg $0x0  }
0xa8: {  	s5 =	sshll.u32 s28, $0x1;
	[dreg:$0x2] =	wrdreg s3  }
0xa9: {  	[dreg:$0x3] =	wrdreg s5  }
0xaa: {  	[dreg:$0x4] =	wrdreg $0xC0  }
0xab: {  	_ =	task [dreg:s7], $0x5FFFF  }
0xac: {  	[dreg:$0x1] =	wrdreg $0xFFFFFFFF  }
0xad: {  	[dreg:$0x0] =	wrdreg $0x60  }
0xae: {  	[dreg:$0x2] =	wrdreg s24  }
0xaf: {  	[dreg:$0x3] =	wrdreg s2  }
0xb0: {  	[dreg:$0x4] =	wrdreg $0x9  }
0xb1: {  	_ =	task.clear_ibuf [dreg:s7], $0x5FFFF;
	_ =	strace $0x90000046  }
0xb2: {  	s29 =	simm.s32 $0x9;
	_ =	strace $0x80000048  }
0xb3: {  	_ =	swait.ge [sflag:s29], $0x1  }
0xb4: {  	[sflag:s29] =	ssyncadd.s32 $0xFFFFFFFF  }
0xb5: {  	_ =	strace $0x90000048  }
0xb6: {  	_ =	sfence  }
0xb7: {  	s30 =	sld [smem:$0x0];
	_ =	sdelay $0x2  }
0xb8: {  	s31 =	sshll.u32 s1, $0xD;
	s1 =	sshrl.u32 s1, $0x2  }
0xb9: {  	s3 =	sand.u32 $0x4000, s31;
	s1 =	sadd.s32 s1, s30  }
0xba: {  	s0 =	sor.u32 s3, s0;
	s1 =	sshll.u32 s1, $0x11  }
0xbb: {  	s0 =	sor.u32 s1, s0  }
0xbc: {  	s0 =	sadd.s32 $0x8F2B, s0  }
0xbd: {  	[sflag:s0] =	ssyncadd.remote.s32 $0x1  }
0xbe: {  	_ =	sfence.sel $0xFFFF  }
0xbf: {  	[dreg:$0x0] =	wrdreg $0xFFFFFFFF;
	(pc) =	sbr.abs _section_cstart, $3  }
0xc0: {  	[dreg:$0x1] =	wrdreg $0xFFFFFFFF  }
0xc1: {  	_ =	task.clear_ibuf [dreg:s7], $0x2FFFF;
	_ =	strace $0x9FFFFFFF  }
0xc2: {  	(tm) =	ssettm $0x7FFFFFFF  }
0xc3: {  	_ =	shalt  }
tec
execute0_lowered:
.L_overlay_start_1:
0x0: {  	(tag) =	ssettag $0x1  }
0x1: {  	s0 =	rddreg [dreg:$0x0];
	s1 =	srdreg.scid  }
0x2: {  	s3 =	stileid.u32;
	s2 =	rddreg [dreg:$0x1];
	s11 =	simm.s32 $0x80  }
0x3: {  	s14 =	simm.s32 $0x1;
	s15 =	simm.s32 $0xA400;
	s8 =	simm.s32 $0xC600  }
0x4: {  	s18 =	simm.s32 $0xE118;
	s19 =	simm.s32 $0xE1A0;
	s20 =	simm.s32 $0xE228  }
0x5: {  	s21 =	simm.s32 $0xE2B0;
	s22 =	simm.s32 $0xE338;
	s23 =	simm.s32 $0xE3C0  }
0x6: {  	s24 =	simm.s32 $0xE448;
	s28 =	simm.s32 $0xE5E0;
	s29 =	simm.s32 $0xE668  }
0x7: {  	s30 =	simm.s32 $0xE6F0;
	s1 =	sand.u32 $0x1, s1;
	s4 =	sshll.u32 s3, $0x1  }
0x8: {  	s31 =	simm.s32 $0xE778;
	s3 =	simm.s32 $0x0;
	s5 =	sor.u32 s1, s4  }
0x9: {  	[smem:$0x7FF] =	sst s3;
	s1 =	ssub.s32 $0x2, s1;
	s4 =	sshll.u32 s5, $0x6  }
0xa: {  	_ =	strace $0x80000047;
	s7 =	sshrl.u32 s1, $0x1;
	s6 =	sadd.s32 s4, s0  }
0xb: {  	v0 =	vlaneseq.u32;
	s4 =	sadd.s32 $0xF42A00, s0;
	s25 =	ssub.s32 s1, s7;
	s1 =	simm.s32 $0x2  }
0xc: {  	v0 =	vmul.u32 $0x88, v0;
	s7 =	simm.s32 $0x0;
	s26 =	sadd.s32 $0x600, s6;
	s6 =	sshll.u32 s5, $0x2  }
0xd: {  	s0 =	smax.u32 s25, $0x1;
	s25 =	simm.s32 $0xE4D0;
	[dreg:$0x3] =	wrdreg s26  }
0xe: {  	v1 =	vadd.s32 $0x880, v0;
	v2 =	vadd.s32 $0x1100, v0;
	v3 =	vadd.s32 $0x1980, v0;
	[dreg:$0x4] =	wrdreg s0;
	s0 =	simm.s32 $0x4;
	s26 =	simm.s32 $0xE558  }
.LBB2_1:
0xf: {  	[dreg:$0x5] =	wrdreg s7  }
0x10: {  	s5 =	rddreg [dreg:$0x3]  }
0x11: {  	s13 =	simm.s32 $0x200;
	s9 =	simm.s32 $0x4000;
	s16 =	simm.s32 $0x5  }
0x12: {  	[tilespmem:s3], [sflag:$0x5] =	stream.strided.gather [hbm4b:s5+s13], $0x6400, s9, s13, $0x38;
	[tilespmem:$0xE800] =	vst v63  }
0x13: {  	_ =	swait.ge [sflag:s16], $0x6400  }
0x14: {  	[sflag:s16] =	ssyncset.done $0x0  }
0x15: {  	s17 =	simm.s32 $0x6400;
	s9 =	simm.s32 $0x0;
	[sflag:s16] =	ssyncadd.s32 $0xFFFF9C00  }
0x16: {  	[tilespmem:s17], [sflag:$0x1] =	stream.indirect.gather [hbm4b:s4+s11], $0x40, s3, s11, $0xb8;
	[tilespmem:$0xE800] =	vst v63  }
.LBB2_2:
0x17: {  	s10 =	sshll.u32 s9, $0x1  }
0x18: {  	s12 =	sand.u32 $0x2, s10  }
0x19: {  	s7 =	sshll.u32 s9, $0x8;
	s5 =	sor.u32 $0x1, s12  }
0x1a: {  	s7 =	sand.u32 $0x3FFFFE00, s7;
	s13 =	sshll.u32 s5, $0x7  }
0x1b: {  	s16 =	simm.s32 $0x8400;
	s7 =	sor.u32 s13, s7  }
0x1c: {  	[tilespmem:s16], [sflag:$0x2] =	stream.indirect.gather [hbm4b:s4+s11], $0x40, s7, s11, $0xb8;
	[tilespmem:$0xE800] =	vst v63  }
0x1d: {  	_ =	swait.ge [sflag:s14], $0x2000  }
0x1e: {  	p0 =	seq.s32 s9, $0x0;
	[sflag:s14] =	ssyncset.done $0x0  }
0x1f: {  	s7 =	simm.s32 @!p0 $0x3;
	[sflag:s14] =	ssyncadd.s32 $0xFFFFE000  }
0x20: {  	_ =	swait.ge @!p0 [sflag:s7], $0x400  }
0x21: {  	[sflag:s7] =	ssyncset.done @!p0 $0x0  }
0x22: {  	[sflag:s7] =	ssyncadd.s32 @!p0 $0xFFFFFC00  }
0x23: {  	_ =	swait.ge @!p0 [sflag:s7], $0x400  }
0x24: {  	[sflag:s7] =	ssyncset.done @!p0 $0x0  }
0x25: {  	[sflag:s7] =	ssyncadd.s32 @!p0 $0xFFFFFC00  }
0x26: {  	_ =	swait.ge @!p0 [sflag:s7], $0x400  }
0x27: {  	[sflag:s7] =	ssyncset.done @!p0 $0x0  }
0x28: {  	[sflag:s7] =	ssyncadd.s32 @!p0 $0xFFFFFC00  }
0x29: {  	_ =	swait.ge @!p0 [sflag:s7], $0x400  }
0x2a: {  	[sflag:s7] =	ssyncset.done @!p0 $0x0  }
0x2b: {  	[sflag:s7] =	ssyncadd.s32 @!p0 $0xFFFFFC00  }
0x2c: {  	_ =	swait.ge @!p0 [sflag:s7], $0x400  }
0x2d: {  	[sflag:s7] =	ssyncset.done @!p0 $0x0  }
0x2e: {  	[sflag:s7] =	ssyncadd.s32 @!p0 $0xFFFFFC00  }
0x2f: {  	_ =	swait.ge @!p0 [sflag:s7], $0x400  }
0x30: {  	[sflag:s7] =	ssyncset.done @!p0 $0x0  }
0x31: {  	[sflag:s7] =	ssyncadd.s32 @!p0 $0xFFFFFC00  }
0x32: {  	_ =	swait.ge @!p0 [sflag:s7], $0x400  }
0x33: {  	[sflag:s7] =	ssyncset.done @!p0 $0x0  }
0x34: {  	[sflag:s7] =	ssyncadd.s32 @!p0 $0xFFFFFC00  }
0x35: {  	s17 =	simm.s32 $0x0;
	_ =	swait.ge @!p0 [sflag:s7], $0x400  }
0x36: {  	v4 =	vmov s17;
	[sflag:s7] =	ssyncset.done @!p0 $0x0  }
0x37: {  	v5 =	vand.u32 $0x7F, v4;
	s13 =	simm.s32 $0x6420;
	[sflag:s7] =	ssyncadd.s32 @!p0 $0xFFFFFC00  }
0x38: {  	v7 =	vadd.s32 v0, v5;
	v6 =	vld [tilespmem:s13+$0xFFFFFFE0]  }
0x39: {  	v9 =	vadd.s32 v1, v5;
	v8 =	vld [tilespmem:s13+$0xFFFFFFF0]  }
0x3a: {  	v11 =	vadd.s32 v2, v5;
	v10 =	vld [tilespmem:s13+$0x0];
	_ =	sdelay $0x1  }
0x3b: {  	v5 =	vadd.s32 v3, v5;
	v4 =	vld [tilespmem:s13+$0x10]  }
0x3c: {  	[tilespmem:v7+s15+$0x0] =	vst.idx.msk $0xffff, v6  }
0x3d: {  	s17 =	simm.s32 $0x1;
	[tilespmem:v9+s15+$0x0] =	vst.idx.msk $0xffff, v8  }
0x3e: {  	s16 =	simm.s32 $0x2;
	s7 =	sshrl.u32 s9, $0x1;
	v6 =	vmov s17;
	[tilespmem:v11+s15+$0x0] =	vst.idx.msk $0xffff, v10  }
.LBB2_3:
0x3f: {  	p1 =	sne.s32 s16, $0x7F  }
0x40: {  	v6 =	vand.u32 $0x7F, v6;
	[tilespmem:v5+s15+$0x0] =	vst.idx.msk $0xffff, v4;
	s13 =	sadd.s32 $0x40, s13;
	s17 =	smov.u32 s16;
	s16 =	sadd.s32 $0x1, s16  }
0x41: {  	v7 =	vld [tilespmem:s13+$0xFFFFFFE0];
	v8 =	vadd.s32 v0, v6  }
0x42: {  	v10 =	vadd.s32 v1, v6;
	v9 =	vld [tilespmem:s13+$0xFFFFFFF0]  }
0x43: {  	v12 =	vadd.s32 v2, v6;
	v11 =	vld [tilespmem:s13+$0x0]  }
.Ltmp0:
0x44: {  	v5 =	vadd.s32 v3, v6;
	v4 =	vld [tilespmem:s13+$0x10];
	(pc) =	sbr.rel @p1 .LBB2_3-.Ltmp0, $4  }
0x45: {  	_ = 	snop  }
0x46: {  	[tilespmem:v8+s15+$0x0] =	vst.idx.msk $0xffff, v7  }
0x47: {  	[tilespmem:v10+s15+$0x0] =	vst.idx.msk $0xffff, v9  }
0x48: {  	v6 =	vmov s17;
	[tilespmem:v12+s15+$0x0] =	vst.idx.msk $0xffff, v11  }
0x49: {  	_ =	sdelay $0x3  }
0x4a: {  	v6 =	vand.u32 $0x7F, v6;
	[tilespmem:v5+s15+$0x0] =	vst.idx.msk $0xffff, v4;
	s13 =	sadd.s32 $0x40, s13  }
0x4b: {  	v4 =	vld [tilespmem:s13+$0xFFFFFFE0];
	v5 =	vadd.s32 v0, v6  }
0x4c: {  	v7 =	vld [tilespmem:s13+$0xFFFFFFF0];
	v8 =	vadd.s32 v1, v6  }
0x4d: {  	v9 =	vld [tilespmem:s13+$0x0];
	v10 =	vadd.s32 v2, v6  }
0x4e: {  	v11 =	vld [tilespmem:s13+$0x10];
	v6 =	vadd.s32 v3, v6  }
0x4f: {  	s12 =	sor.u32 s6, s12;
	s16 =	sshll.u32 s9, $0x13  }
0x50: {  	s13 =	sand.u32 $0x3F00000, s16;
	s12 =	sshll.u32 s12, $0xA;
	[tilespmem:v5+s15+$0x0] =	vst.idx.msk $0xffff, v4  }
0x51: {  	s12 =	sor.u32 s13, s12;
	[tilespmem:v8+s15+$0x0] =	vst.idx.msk $0xffff, v7  }
0x52: {  	s12 =	sshrl.u32 s12, $0x3;
	[tilespmem:v10+s15+$0x0] =	vst.idx.msk $0xffff, v9  }
0x53: {  	s12 =	sadd.s32 s2, s12;
	[tilespmem:v6+s15+$0x0] =	vst.idx.msk $0xffff, v11  }
0x54: {  	[hbm4b:s12+s3] =	stream.linear.scatter [tilespmem:s15], [sflag:$0x3], $0x80, $0x38;
	[tilespmem:$0xE800] =	vst v63  }
0x55: {  	s16 =	simm.s32 $0xA488;
	s17 =	sadd.s32 $0x10, s12  }
0x56: {  	[hbm4b:s17+s3] =	stream.linear.scatter [tilespmem:s16], [sflag:$0x3], $0x80, $0x38;
	[tilespmem:$0xE800] =	vst v63  }
0x57: {  	s16 =	sadd.s32 $0x20, s12;
	s17 =	simm.s32 $0xA510  }
0x58: {  	[hbm4b:s16+s3] =	stream.linear.scatter [tilespmem:s17], [sflag:$0x3], $0x80, $0x38;
	[tilespmem:$0xE800] =	vst v63  }
0x59: {  	s16 =	sadd.s32 $0x30, s12;
	s17 =	simm.s32 $0xA598  }
0x5a: {  	[hbm4b:s16+s3] =	stream.linear.scatter [tilespmem:s17], [sflag:$0x3], $0x80, $0x38;
	[tilespmem:$0xE800] =	vst v63  }
0x5b: {  	s16 =	sadd.s32 $0x40, s12;
	s17 =	simm.s32 $0xA620  }
0x5c: {  	[hbm4b:s16+s3] =	stream.linear.scatter [tilespmem:s17], [sflag:$0x3], $0x80, $0x38;
	[tilespmem:$0xE800] =	vst v63  }
0x5d: {  	s16 =	sadd.s32 $0x50, s12;
	s17 =	simm.s32 $0xA6A8  }
0x5e: {  	[hbm4b:s16+s3] =	stream.linear.scatter [tilespmem:s17], [sflag:$0x3], $0x80, $0x38;
	[tilespmem:$0xE800] =	vst v63  }
0x5f: {  	s16 =	sadd.s32 $0x60, s12;
	s17 =	simm.s32 $0xA730  }
0x60: {  	[hbm4b:s16+s3] =	stream.linear.scatter [tilespmem:s17], [sflag:$0x3], $0x80, $0x38;
	[tilespmem:$0xE800] =	vst v63  }
0x61: {  	s16 =	sadd.s32 $0x70, s12;
	s17 =	simm.s32 $0xA7B8  }
0x62: {  	[hbm4b:s16+s3] =	stream.linear.scatter [tilespmem:s17], [sflag:$0x3], $0x80, $0x38;
	[tilespmem:$0xE800] =	vst v63  }
0x63: {  	s16 =	sadd.s32 $0x4000, s12;
	s17 =	simm.s32 $0xA840  }
0x64: {  	[hbm4b:s16+s3] =	stream.linear.scatter [tilespmem:s17], [sflag:$0x3], $0x80, $0x38;
	[tilespmem:$0xE800] =	vst v63  }
0x65: {  	s16 =	sadd.s32 $0x4010, s12;
	s17 =	simm.s32 $0xA8C8  }
0x66: {  	[hbm4b:s16+s3] =	stream.linear.scatter [tilespmem:s17], [sflag:$0x3], $0x80, $0x38;
	[tilespmem:$0xE800] =	vst v63  }
0x67: {  	s16 =	sadd.s32 $0x4020, s12;
	s17 =	simm.s32 $0xA950  }
0x68: {  	[hbm4b:s16+s3] =	stream.linear.scatter [tilespmem:s17], [sflag:$0x3], $0x80, $0x38;
	[tilespmem:$0xE800] =	vst v63  }
0x69: {  	s16 =	sadd.s32 $0x4030, s12;
	s17 =	simm.s32 $0xA9D8  }
0x6a: {  	[hbm4b:s16+s3] =	stream.linear.scatter [tilespmem:s17], [sflag:$0x3], $0x80, $0x38;
	[tilespmem:$0xE800] =	vst v63  }
0x6b: {  	s16 =	sadd.s32 $0x4040, s12;
	s17 =	simm.s32 $0xAA60  }
0x6c: {  	[hbm4b:s16+s3] =	stream.linear.scatter [tilespmem:s17], [sflag:$0x3], $0x80, $0x38;
	[tilespmem:$0xE800] =	vst v63  }
0x6d: {  	s16 =	sadd.s32 $0x4050, s12;
	s17 =	simm.s32 $0xAAE8  }
0x6e: {  	[hbm4b:s16+s3] =	stream.linear.scatter [tilespmem:s17], [sflag:$0x3], $0x80, $0x38;
	[tilespmem:$0xE800] =	vst v63  }
0x6f: {  	s16 =	sadd.s32 $0x4060, s12;
	s17 =	simm.s32 $0xAB70  }
0x70: {  	[hbm4b:s16+s3] =	stream.linear.scatter [tilespmem:s17], [sflag:$0x3], $0x80, $0x38;
	[tilespmem:$0xE800] =	vst v63  }
0x71: {  	s16 =	sadd.s32 $0x4070, s12;
	s17 =	simm.s32 $0xABF8  }
0x72: {  	[hbm4b:s16+s3] =	stream.linear.scatter [tilespmem:s17], [sflag:$0x3], $0x80, $0x38;
	[tilespmem:$0xE800] =	vst v63  }
0x73: {  	s16 =	sadd.s32 $0x8000, s12;
	s17 =	simm.s32 $0xAC80  }
0x74: {  	[hbm4b:s16+s3] =	stream.linear.scatter [tilespmem:s17], [sflag:$0x3], $0x80, $0x38;
	[tilespmem:$0xE800] =	vst v63  }
0x75: {  	s16 =	sadd.s32 $0x8010, s12;
	s17 =	simm.s32 $0xAD08  }
0x76: {  	[hbm4b:s16+s3] =	stream.linear.scatter [tilespmem:s17], [sflag:$0x3], $0x80, $0x38;
	[tilespmem:$0xE800] =	vst v63  }
0x77: {  	s16 =	sadd.s32 $0x8020, s12;
	s17 =	simm.s32 $0xAD90  }
0x78: {  	[hbm4b:s16+s3] =	stream.linear.scatter [tilespmem:s17], [sflag:$0x3], $0x80, $0x38;
	[tilespmem:$0xE800] =	vst v63  }
0x79: {  	s16 =	sadd.s32 $0x8030, s12;
	s17 =	simm.s32 $0xAE18  }
0x7a: {  	[hbm4b:s16+s3] =	stream.linear.scatter [tilespmem:s17], [sflag:$0x3], $0x80, $0x38;
	[tilespmem:$0xE800] =	vst v63  }
0x7b: {  	s16 =	sadd.s32 $0x8040, s12;
	s17 =	simm.s32 $0xAEA0  }
0x7c: {  	[hbm4b:s16+s3] =	stream.linear.scatter [tilespmem:s17], [sflag:$0x3], $0x80, $0x38;
	[tilespmem:$0xE800] =	vst v63  }
0x7d: {  	s16 =	sadd.s32 $0x8050, s12;
	s17 =	simm.s32 $0xAF28  }
0x7e: {  	[hbm4b:s16+s3] =	stream.linear.scatter [tilespmem:s17], [sflag:$0x3], $0x80, $0x38;
	[tilespmem:$0xE800] =	vst v63  }
0x7f: {  	s16 =	sadd.s32 $0x8060, s12;
	s17 =	simm.s32 $0xAFB0  }
0x80: {  	[hbm4b:s16+s3] =	stream.linear.scatter [tilespmem:s17], [sflag:$0x3], $0x80, $0x38;
	[tilespmem:$0xE800] =	vst v63  }
0x81: {  	s16 =	sadd.s32 $0x8070, s12;
	s17 =	simm.s32 $0xB038  }
0x82: {  	[hbm4b:s16+s3] =	stream.linear.scatter [tilespmem:s17], [sflag:$0x3], $0x80, $0x38;
	[tilespmem:$0xE800] =	vst v63  }
0x83: {  	s16 =	sadd.s32 $0xC000, s12;
	s17 =	simm.s32 $0xB0C0  }
0x84: {  	[hbm4b:s16+s3] =	stream.linear.scatter [tilespmem:s17], [sflag:$0x3], $0x80, $0x38;
	[tilespmem:$0xE800] =	vst v63  }
0x85: {  	s16 =	sadd.s32 $0xC010, s12;
	s17 =	simm.s32 $0xB148  }
0x86: {  	[hbm4b:s16+s3] =	stream.linear.scatter [tilespmem:s17], [sflag:$0x3], $0x80, $0x38;
	[tilespmem:$0xE800] =	vst v63  }
0x87: {  	s16 =	sadd.s32 $0xC020, s12;
	s17 =	simm.s32 $0xB1D0  }
0x88: {  	[hbm4b:s16+s3] =	stream.linear.scatter [tilespmem:s17], [sflag:$0x3], $0x80, $0x38;
	[tilespmem:$0xE800] =	vst v63  }
0x89: {  	s16 =	sadd.s32 $0xC030, s12;
	s17 =	simm.s32 $0xB258  }
0x8a: {  	[hbm4b:s16+s3] =	stream.linear.scatter [tilespmem:s17], [sflag:$0x3], $0x80, $0x38;
	[tilespmem:$0xE800] =	vst v63  }
0x8b: {  	s16 =	sadd.s32 $0xC040, s12;
	s17 =	simm.s32 $0xB2E0  }
0x8c: {  	[hbm4b:s16+s3] =	stream.linear.scatter [tilespmem:s17], [sflag:$0x3], $0x80, $0x38;
	[tilespmem:$0xE800] =	vst v63  }
0x8d: {  	s16 =	sadd.s32 $0xC050, s12;
	s17 =	simm.s32 $0xB368  }
0x8e: {  	[hbm4b:s16+s3] =	stream.linear.scatter [tilespmem:s17], [sflag:$0x3], $0x80, $0x38;
	[tilespmem:$0xE800] =	vst v63  }
0x8f: {  	s16 =	sadd.s32 $0xC060, s12;
	s17 =	simm.s32 $0xB3F0  }
0x90: {  	[hbm4b:s16+s3] =	stream.linear.scatter [tilespmem:s17], [sflag:$0x3], $0x80, $0x38;
	[tilespmem:$0xE800] =	vst v63  }
0x91: {  	s16 =	sadd.s32 $0xC070, s12;
	s17 =	simm.s32 $0xB478  }
0x92: {  	[hbm4b:s16+s3] =	stream.linear.scatter [tilespmem:s17], [sflag:$0x3], $0x80, $0x38;
	[tilespmem:$0xE800] =	vst v63  }
0x93: {  	s13 =	sadd.s32 $0x10000, s12;
	s17 =	simm.s32 $0xB500  }
0x94: {  	[hbm4b:s13+s3] =	stream.linear.scatter [tilespmem:s17], [sflag:$0x3], $0x80, $0x38;
	[tilespmem:$0xE800] =	vst v63  }
0x95: {  	s16 =	sadd.s32 $0x10, s13;
	s17 =	simm.s32 $0xB588  }
0x96: {  	[hbm4b:s16+s3] =	stream.linear.scatter [tilespmem:s17], [sflag:$0x3], $0x80, $0x38;
	[tilespmem:$0xE800] =	vst v63  }
0x97: {  	s16 =	sadd.s32 $0x20, s13;
	s17 =	simm.s32 $0xB610  }
0x98: {  	[hbm4b:s16+s3] =	stream.linear.scatter [tilespmem:s17], [sflag:$0x3], $0x80, $0x38;
	[tilespmem:$0xE800] =	vst v63  }
0x99: {  	s16 =	sadd.s32 $0x30, s13;
	s17 =	simm.s32 $0xB698  }
0x9a: {  	[hbm4b:s16+s3] =	stream.linear.scatter [tilespmem:s17], [sflag:$0x3], $0x80, $0x38;
	[tilespmem:$0xE800] =	vst v63  }
0x9b: {  	s16 =	sadd.s32 $0x40, s13;
	s17 =	simm.s32 $0xB720  }
0x9c: {  	[hbm4b:s16+s3] =	stream.linear.scatter [tilespmem:s17], [sflag:$0x3], $0x80, $0x38;
	[tilespmem:$0xE800] =	vst v63  }
0x9d: {  	s16 =	sadd.s32 $0x50, s13;
	s17 =	simm.s32 $0xB7A8  }
0x9e: {  	[hbm4b:s16+s3] =	stream.linear.scatter [tilespmem:s17], [sflag:$0x3], $0x80, $0x38;
	[tilespmem:$0xE800] =	vst v63  }
0x9f: {  	s16 =	sadd.s32 $0x60, s13;
	s17 =	simm.s32 $0xB830  }
0xa0: {  	[hbm4b:s16+s3] =	stream.linear.scatter [tilespmem:s17], [sflag:$0x3], $0x80, $0x38;
	[tilespmem:$0xE800] =	vst v63  }
0xa1: {  	s13 =	sadd.s32 $0x70, s13;
	s17 =	simm.s32 $0xB8B8  }
0xa2: {  	[hbm4b:s13+s3] =	stream.linear.scatter [tilespmem:s17], [sflag:$0x3], $0x80, $0x38;
	[tilespmem:$0xE800] =	vst v63  }
0xa3: {  	s13 =	sadd.s32 $0x14000, s12;
	s17 =	simm.s32 $0xB940  }
0xa4: {  	[hbm4b:s13+s3] =	stream.linear.scatter [tilespmem:s17], [sflag:$0x3], $0x80, $0x38;
	[tilespmem:$0xE800] =	vst v63  }
0xa5: {  	s16 =	sadd.s32 $0x10, s13;
	s17 =	simm.s32 $0xB9C8  }
0xa6: {  	[hbm4b:s16+s3] =	stream.linear.scatter [tilespmem:s17], [sflag:$0x3], $0x80, $0x38;
	[tilespmem:$0xE800] =	vst v63  }
0xa7: {  	s16 =	sadd.s32 $0x20, s13;
	s17 =	simm.s32 $0xBA50  }
0xa8: {  	[hbm4b:s16+s3] =	stream.linear.scatter [tilespmem:s17], [sflag:$0x3], $0x80, $0x38;
	[tilespmem:$0xE800] =	vst v63  }
0xa9: {  	s16 =	sadd.s32 $0x30, s13;
	s17 =	simm.s32 $0xBAD8  }
0xaa: {  	[hbm4b:s16+s3] =	stream.linear.scatter [tilespmem:s17], [sflag:$0x3], $0x80, $0x38;
	[tilespmem:$0xE800] =	vst v63  }
0xab: {  	s16 =	sadd.s32 $0x40, s13;
	s17 =	simm.s32 $0xBB60  }
0xac: {  	[hbm4b:s16+s3] =	stream.linear.scatter [tilespmem:s17], [sflag:$0x3], $0x80, $0x38;
	[tilespmem:$0xE800] =	vst v63  }
0xad: {  	s16 =	sadd.s32 $0x50, s13;
	s17 =	simm.s32 $0xBBE8  }
0xae: {  	[hbm4b:s16+s3] =	stream.linear.scatter [tilespmem:s17], [sflag:$0x3], $0x80, $0x38;
	[tilespmem:$0xE800] =	vst v63  }
0xaf: {  	s16 =	sadd.s32 $0x60, s13;
	s17 =	simm.s32 $0xBC70  }
0xb0: {  	[hbm4b:s16+s3] =	stream.linear.scatter [tilespmem:s17], [sflag:$0x3], $0x80, $0x38;
	[tilespmem:$0xE800] =	vst v63  }
0xb1: {  	s13 =	sadd.s32 $0x70, s13;
	s17 =	simm.s32 $0xBCF8  }
0xb2: {  	[hbm4b:s13+s3] =	stream.linear.scatter [tilespmem:s17], [sflag:$0x3], $0x80, $0x38;
	[tilespmem:$0xE800] =	vst v63  }
0xb3: {  	s13 =	sadd.s32 $0x18000, s12;
	s17 =	simm.s32 $0xBD80  }
0xb4: {  	[hbm4b:s13+s3] =	stream.linear.scatter [tilespmem:s17], [sflag:$0x3], $0x80, $0x38;
	[tilespmem:$0xE800] =	vst v63  }
0xb5: {  	s16 =	sadd.s32 $0x10, s13;
	s17 =	simm.s32 $0xBE08  }
0xb6: {  	[hbm4b:s16+s3] =	stream.linear.scatter [tilespmem:s17], [sflag:$0x3], $0x80, $0x38;
	[tilespmem:$0xE800] =	vst v63  }
0xb7: {  	s16 =	sadd.s32 $0x20, s13;
	s17 =	simm.s32 $0xBE90  }
0xb8: {  	[hbm4b:s16+s3] =	stream.linear.scatter [tilespmem:s17], [sflag:$0x3], $0x80, $0x38;
	[tilespmem:$0xE800] =	vst v63  }
0xb9: {  	s16 =	sadd.s32 $0x30, s13;
	s17 =	simm.s32 $0xBF18  }
0xba: {  	[hbm4b:s16+s3] =	stream.linear.scatter [tilespmem:s17], [sflag:$0x3], $0x80, $0x38;
	[tilespmem:$0xE800] =	vst v63  }
0xbb: {  	s16 =	sadd.s32 $0x40, s13;
	s17 =	simm.s32 $0xBFA0  }
0xbc: {  	[hbm4b:s16+s3] =	stream.linear.scatter [tilespmem:s17], [sflag:$0x3], $0x80, $0x38;
	[tilespmem:$0xE800] =	vst v63  }
0xbd: {  	s16 =	sadd.s32 $0x50, s13;
	s17 =	simm.s32 $0xC028  }
0xbe: {  	[hbm4b:s16+s3] =	stream.linear.scatter [tilespmem:s17], [sflag:$0x3], $0x80, $0x38;
	[tilespmem:$0xE800] =	vst v63  }
0xbf: {  	s16 =	sadd.s32 $0x60, s13;
	s17 =	simm.s32 $0xC0B0  }
0xc0: {  	[hbm4b:s16+s3] =	stream.linear.scatter [tilespmem:s17], [sflag:$0x3], $0x80, $0x38;
	[tilespmem:$0xE800] =	vst v63  }
0xc1: {  	s13 =	sadd.s32 $0x70, s13;
	s17 =	simm.s32 $0xC138  }
0xc2: {  	[hbm4b:s13+s3] =	stream.linear.scatter [tilespmem:s17], [sflag:$0x3], $0x80, $0x38;
	[tilespmem:$0xE800] =	vst v63  }
0xc3: {  	s12 =	sadd.s32 $0x1C000, s12;
	s17 =	simm.s32 $0xC1C0  }
0xc4: {  	[hbm4b:s12+s3] =	stream.linear.scatter [tilespmem:s17], [sflag:$0x3], $0x80, $0x38;
	[tilespmem:$0xE800] =	vst v63  }
0xc5: {  	s16 =	sadd.s32 $0x10, s12;
	s17 =	simm.s32 $0xC248  }
0xc6: {  	[hbm4b:s16+s3] =	stream.linear.scatter [tilespmem:s17], [sflag:$0x3], $0x80, $0x38;
	[tilespmem:$0xE800] =	vst v63  }
0xc7: {  	s16 =	sadd.s32 $0x20, s12;
	s17 =	simm.s32 $0xC2D0  }
0xc8: {  	[hbm4b:s16+s3] =	stream.linear.scatter [tilespmem:s17], [sflag:$0x3], $0x80, $0x38;
	[tilespmem:$0xE800] =	vst v63  }
0xc9: {  	s16 =	sadd.s32 $0x30, s12;
	s17 =	simm.s32 $0xC358  }
0xca: {  	[hbm4b:s16+s3] =	stream.linear.scatter [tilespmem:s17], [sflag:$0x3], $0x80, $0x38;
	[tilespmem:$0xE800] =	vst v63  }
0xcb: {  	s16 =	sadd.s32 $0x40, s12;
	s17 =	simm.s32 $0xC3E0  }
0xcc: {  	[hbm4b:s16+s3] =	stream.linear.scatter [tilespmem:s17], [sflag:$0x3], $0x80, $0x38;
	[tilespmem:$0xE800] =	vst v63  }
0xcd: {  	p1 =	sne.s32 s9, $0x63;
	s16 =	sadd.s32 $0x50, s12;
	s17 =	simm.s32 $0xC468  }
0xce: {  	[hbm4b:s16+s3] =	stream.linear.scatter [tilespmem:s17], [sflag:$0x3], $0x80, $0x38;
	[tilespmem:$0xE800] =	vst v63  }
.Ltmp1:
0xcf: {  	_ = 	snop;
	(pc) =	sbr.rel @p1 .LBB2_6-.Ltmp1, $4  }
0xd0: {  	s16 =	sadd.s32 $0x60, s12;
	s17 =	simm.s32 $0xC4F0  }
0xd1: {  	[hbm4b:s16+s3] =	stream.linear.scatter [tilespmem:s17], [sflag:$0x3], $0x80, $0x38;
	[tilespmem:$0xE800] =	vst v63  }
0xd2: {  	s12 =	sadd.s32 $0x70, s12;
	s17 =	simm.s32 $0xC578  }
0xd3: {  	[hbm4b:s12+s3] =	stream.linear.scatter [tilespmem:s17], [sflag:$0x3], $0x80, $0x38;
	[tilespmem:$0xE800] =	vst v63  }
.Ltmp2:
0xd4: {  	(pc) =	sbr.rel .LBB2_7-.Ltmp2, $4  }
0xd5: {  	_ = 	snop  }
0xd6: {  	_ =	swait.ge [sflag:s1], $0x2000  }
0xd7: {  	[sflag:s1] =	ssyncset.done $0x0  }
0xd8: {  	[sflag:s1] =	ssyncadd.s32 $0xFFFFE000  }
.LBB2_6:
0xd9: {  	s10 =	sshll.u32 s10, $0x7  }
0xda: {  	s10 =	sadd.s32 $0x100, s10  }
.Ltmp3:
0xdb: {  	s12 =	simm.s32 $0x6400;
	s10 =	sand.u32 $0xFF00, s10;
	(pc) =	sbr.rel @p0 .LBB2_8-.Ltmp3, $4  }
0xdc: {  	[tilespmem:s12], [sflag:$0x1] =	stream.indirect.gather [hbm4b:s4+s11], $0x40, s10, s11, $0xb8;
	[tilespmem:$0xE800] =	vst v63  }
0xdd: {  	_ =	swait.ge [sflag:s1], $0x2000  }
0xde: {  	[sflag:s1] =	ssyncset.done $0x0  }
0xdf: {  	[sflag:s1] =	ssyncadd.s32 $0xFFFFE000  }
.LBB2_7:
0xe0: {  	_ =	swait.ge [sflag:s0], $0x400  }
0xe1: {  	[sflag:s0] =	ssyncset.done $0x0  }
0xe2: {  	[sflag:s0] =	ssyncadd.s32 $0xFFFFFC00  }
0xe3: {  	_ =	swait.ge [sflag:s0], $0x400  }
0xe4: {  	[sflag:s0] =	ssyncset.done $0x0  }
0xe5: {  	[sflag:s0] =	ssyncadd.s32 $0xFFFFFC00  }
0xe6: {  	_ =	swait.ge [sflag:s0], $0x400  }
0xe7: {  	[sflag:s0] =	ssyncset.done $0x0  }
0xe8: {  	[sflag:s0] =	ssyncadd.s32 $0xFFFFFC00  }
0xe9: {  	_ =	swait.ge [sflag:s0], $0x400  }
0xea: {  	[sflag:s0] =	ssyncset.done $0x0  }
0xeb: {  	[sflag:s0] =	ssyncadd.s32 $0xFFFFFC00  }
0xec: {  	_ =	swait.ge [sflag:s0], $0x400  }
0xed: {  	[sflag:s0] =	ssyncset.done $0x0  }
0xee: {  	[sflag:s0] =	ssyncadd.s32 $0xFFFFFC00  }
0xef: {  	_ =	swait.ge [sflag:s0], $0x400  }
0xf0: {  	[sflag:s0] =	ssyncset.done $0x0  }
0xf1: {  	[sflag:s0] =	ssyncadd.s32 $0xFFFFFC00  }
0xf2: {  	_ =	swait.ge [sflag:s0], $0x400  }
0xf3: {  	[sflag:s0] =	ssyncset.done $0x0  }
0xf4: {  	[sflag:s0] =	ssyncadd.s32 $0xFFFFFC00  }
0xf5: {  	_ =	swait.ge [sflag:s0], $0x400  }
0xf6: {  	[sflag:s0] =	ssyncset.done $0x0  }
0xf7: {  	[sflag:s0] =	ssyncadd.s32 $0xFFFFFC00  }
.LBB2_8:
0xf8: {  	s10 =	simm.s32 $0x0  }
0xf9: {  	v4 =	vmov s10  }
0xfa: {  	s10 =	simm.s32 $0x8420;
	v5 =	vand.u32 $0x7F, v4  }
0xfb: {  	v6 =	vld [tilespmem:s10+$0xFFFFFFE0];
	v7 =	vadd.s32 v0, v5  }
0xfc: {  	v8 =	vld [tilespmem:s10+$0xFFFFFFF0];
	v9 =	vadd.s32 v1, v5  }
0xfd: {  	v10 =	vld [tilespmem:s10+$0x0];
	v11 =	vadd.s32 v2, v5;
	_ =	sdelay $0x1  }
0xfe: {  	v4 =	vld [tilespmem:s10+$0x10];
	v5 =	vadd.s32 v3, v5  }
0xff: {  	[tilespmem:v7+s8+$0x0] =	vst.idx.msk $0xffff, v6  }
0x100: {  	s13 =	simm.s32 $0x1;
	[tilespmem:v9+s8+$0x0] =	vst.idx.msk $0xffff, v8  }
0x101: {  	s12 =	simm.s32 $0x2;
	v6 =	vmov s13;
	[tilespmem:v11+s8+$0x0] =	vst.idx.msk $0xffff, v10  }
.LBB2_9:
0x102: {  	p0 =	sne.s32 s12, $0x7F  }
0x103: {  	v6 =	vand.u32 $0x7F, v6;
	[tilespmem:v5+s8+$0x0] =	vst.idx.msk $0xffff, v4;
	s10 =	sadd.s32 $0x40, s10;
	s13 =	smov.u32 s12;
	s12 =	sadd.s32 $0x1, s12  }
0x104: {  	v7 =	vld [tilespmem:s10+$0xFFFFFFE0];
	v8 =	vadd.s32 v0, v6  }
0x105: {  	v10 =	vadd.s32 v1, v6;
	v9 =	vld [tilespmem:s10+$0xFFFFFFF0]  }
0x106: {  	v12 =	vadd.s32 v2, v6;
	v11 =	vld [tilespmem:s10+$0x0]  }
.Ltmp4:
0x107: {  	v5 =	vadd.s32 v3, v6;
	v4 =	vld [tilespmem:s10+$0x10];
	(pc) =	sbr.rel @p0 .LBB2_9-.Ltmp4, $4  }
0x108: {  	_ = 	snop  }
0x109: {  	[tilespmem:v8+s8+$0x0] =	vst.idx.msk $0xffff, v7  }
0x10a: {  	[tilespmem:v10+s8+$0x0] =	vst.idx.msk $0xffff, v9  }
0x10b: {  	v6 =	vmov s13;
	[tilespmem:v12+s8+$0x0] =	vst.idx.msk $0xffff, v11  }
0x10c: {  	_ =	sdelay $0x3  }
0x10d: {  	v6 =	vand.u32 $0x7F, v6;
	[tilespmem:v5+s8+$0x0] =	vst.idx.msk $0xffff, v4;
	s10 =	sadd.s32 $0x40, s10  }
0x10e: {  	v4 =	vld [tilespmem:s10+$0xFFFFFFE0];
	v5 =	vadd.s32 v0, v6  }
0x10f: {  	v7 =	vld [tilespmem:s10+$0xFFFFFFF0];
	v8 =	vadd.s32 v1, v6  }
0x110: {  	v9 =	vld [tilespmem:s10+$0x0];
	v10 =	vadd.s32 v2, v6  }
0x111: {  	v11 =	vld [tilespmem:s10+$0x10];
	v6 =	vadd.s32 v3, v6  }
0x112: {  	s5 =	sor.u32 s6, s5  }
0x113: {  	s7 =	sshll.u32 s7, $0x14;
	s5 =	sshll.u32 s5, $0xA;
	[tilespmem:v5+s8+$0x0] =	vst.idx.msk $0xffff, v4  }
0x114: {  	s5 =	sor.u32 s7, s5;
	[tilespmem:v8+s8+$0x0] =	vst.idx.msk $0xffff, v7  }
0x115: {  	s5 =	sshrl.u32 s5, $0x3;
	[tilespmem:v10+s8+$0x0] =	vst.idx.msk $0xffff, v9  }
0x116: {  	s5 =	sadd.s32 s2, s5;
	[tilespmem:v6+s8+$0x0] =	vst.idx.msk $0xffff, v11  }
0x117: {  	[hbm4b:s5+s3] =	stream.linear.scatter [tilespmem:s8], [sflag:$0x4], $0x80, $0x38;
	[tilespmem:$0xE800] =	vst v63  }
0x118: {  	s13 =	simm.s32 $0xC688;
	s12 =	sadd.s32 $0x10, s5  }
0x119: {  	[hbm4b:s12+s3] =	stream.linear.scatter [tilespmem:s13], [sflag:$0x4], $0x80, $0x38;
	[tilespmem:$0xE800] =	vst v63  }
0x11a: {  	s17 =	simm.s32 $0xC710;
	s16 =	sadd.s32 $0x20, s5  }
0x11b: {  	[hbm4b:s16+s3] =	stream.linear.scatter [tilespmem:s17], [sflag:$0x4], $0x80, $0x38;
	[tilespmem:$0xE800] =	vst v63  }
0x11c: {  	s12 =	sadd.s32 $0x30, s5;
	s13 =	simm.s32 $0xC798  }
0x11d: {  	[hbm4b:s12+s3] =	stream.linear.scatter [tilespmem:s13], [sflag:$0x4], $0x80, $0x38;
	[tilespmem:$0xE800] =	vst v63  }
0x11e: {  	s16 =	sadd.s32 $0x40, s5;
	s17 =	simm.s32 $0xC820  }
0x11f: {  	[hbm4b:s16+s3] =	stream.linear.scatter [tilespmem:s17], [sflag:$0x4], $0x80, $0x38;
	[tilespmem:$0xE800] =	vst v63  }
0x120: {  	s12 =	sadd.s32 $0x50, s5;
	s13 =	simm.s32 $0xC8A8  }
0x121: {  	[hbm4b:s12+s3] =	stream.linear.scatter [tilespmem:s13], [sflag:$0x4], $0x80, $0x38;
	[tilespmem:$0xE800] =	vst v63  }
0x122: {  	s16 =	sadd.s32 $0x60, s5;
	s17 =	simm.s32 $0xC930  }
0x123: {  	[hbm4b:s16+s3] =	stream.linear.scatter [tilespmem:s17], [sflag:$0x4], $0x80, $0x38;
	[tilespmem:$0xE800] =	vst v63  }
0x124: {  	s12 =	sadd.s32 $0x70, s5;
	s13 =	simm.s32 $0xC9B8  }
0x125: {  	[hbm4b:s12+s3] =	stream.linear.scatter [tilespmem:s13], [sflag:$0x4], $0x80, $0x38;
	[tilespmem:$0xE800] =	vst v63  }
0x126: {  	s16 =	sadd.s32 $0x4000, s5;
	s17 =	simm.s32 $0xCA40  }
0x127: {  	[hbm4b:s16+s3] =	stream.linear.scatter [tilespmem:s17], [sflag:$0x4], $0x80, $0x38;
	[tilespmem:$0xE800] =	vst v63  }
0x128: {  	s12 =	sadd.s32 $0x4010, s5;
	s13 =	simm.s32 $0xCAC8  }
0x129: {  	[hbm4b:s12+s3] =	stream.linear.scatter [tilespmem:s13], [sflag:$0x4], $0x80, $0x38;
	[tilespmem:$0xE800] =	vst v63  }
0x12a: {  	s16 =	sadd.s32 $0x4020, s5;
	s17 =	simm.s32 $0xCB50  }
0x12b: {  	[hbm4b:s16+s3] =	stream.linear.scatter [tilespmem:s17], [sflag:$0x4], $0x80, $0x38;
	[tilespmem:$0xE800] =	vst v63  }
0x12c: {  	s12 =	sadd.s32 $0x4030, s5;
	s13 =	simm.s32 $0xCBD8  }
0x12d: {  	[hbm4b:s12+s3] =	stream.linear.scatter [tilespmem:s13], [sflag:$0x4], $0x80, $0x38;
	[tilespmem:$0xE800] =	vst v63  }
0x12e: {  	s16 =	sadd.s32 $0x4040, s5;
	s17 =	simm.s32 $0xCC60  }
0x12f: {  	[hbm4b:s16+s3] =	stream.linear.scatter [tilespmem:s17], [sflag:$0x4], $0x80, $0x38;
	[tilespmem:$0xE800] =	vst v63  }
0x130: {  	s12 =	sadd.s32 $0x4050, s5;
	s13 =	simm.s32 $0xCCE8  }
0x131: {  	[hbm4b:s12+s3] =	stream.linear.scatter [tilespmem:s13], [sflag:$0x4], $0x80, $0x38;
	[tilespmem:$0xE800] =	vst v63  }
0x132: {  	s16 =	sadd.s32 $0x4060, s5;
	s17 =	simm.s32 $0xCD70  }
0x133: {  	[hbm4b:s16+s3] =	stream.linear.scatter [tilespmem:s17], [sflag:$0x4], $0x80, $0x38;
	[tilespmem:$0xE800] =	vst v63  }
0x134: {  	s12 =	sadd.s32 $0x4070, s5;
	s13 =	simm.s32 $0xCDF8  }
0x135: {  	[hbm4b:s12+s3] =	stream.linear.scatter [tilespmem:s13], [sflag:$0x4], $0x80, $0x38;
	[tilespmem:$0xE800] =	vst v63  }
0x136: {  	s16 =	sadd.s32 $0x8000, s5;
	s17 =	simm.s32 $0xCE80  }
0x137: {  	[hbm4b:s16+s3] =	stream.linear.scatter [tilespmem:s17], [sflag:$0x4], $0x80, $0x38;
	[tilespmem:$0xE800] =	vst v63  }
0x138: {  	s12 =	sadd.s32 $0x8010, s5;
	s13 =	simm.s32 $0xCF08  }
0x139: {  	[hbm4b:s12+s3] =	stream.linear.scatter [tilespmem:s13], [sflag:$0x4], $0x80, $0x38;
	[tilespmem:$0xE800] =	vst v63  }
0x13a: {  	s16 =	sadd.s32 $0x8020, s5;
	s17 =	simm.s32 $0xCF90  }
0x13b: {  	[hbm4b:s16+s3] =	stream.linear.scatter [tilespmem:s17], [sflag:$0x4], $0x80, $0x38;
	[tilespmem:$0xE800] =	vst v63  }
0x13c: {  	s12 =	sadd.s32 $0x8030, s5;
	s13 =	simm.s32 $0xD018  }
0x13d: {  	[hbm4b:s12+s3] =	stream.linear.scatter [tilespmem:s13], [sflag:$0x4], $0x80, $0x38;
	[tilespmem:$0xE800] =	vst v63  }
0x13e: {  	s16 =	sadd.s32 $0x8040, s5;
	s17 =	simm.s32 $0xD0A0  }
0x13f: {  	[hbm4b:s16+s3] =	stream.linear.scatter [tilespmem:s17], [sflag:$0x4], $0x80, $0x38;
	[tilespmem:$0xE800] =	vst v63  }
0x140: {  	s12 =	sadd.s32 $0x8050, s5;
	s13 =	simm.s32 $0xD128  }
0x141: {  	[hbm4b:s12+s3] =	stream.linear.scatter [tilespmem:s13], [sflag:$0x4], $0x80, $0x38;
	[tilespmem:$0xE800] =	vst v63  }
0x142: {  	s16 =	sadd.s32 $0x8060, s5;
	s17 =	simm.s32 $0xD1B0  }
0x143: {  	[hbm4b:s16+s3] =	stream.linear.scatter [tilespmem:s17], [sflag:$0x4], $0x80, $0x38;
	[tilespmem:$0xE800] =	vst v63  }
0x144: {  	s12 =	sadd.s32 $0x8070, s5;
	s13 =	simm.s32 $0xD238  }
0x145: {  	[hbm4b:s12+s3] =	stream.linear.scatter [tilespmem:s13], [sflag:$0x4], $0x80, $0x38;
	[tilespmem:$0xE800] =	vst v63  }
0x146: {  	s16 =	sadd.s32 $0xC000, s5;
	s17 =	simm.s32 $0xD2C0  }
0x147: {  	[hbm4b:s16+s3] =	stream.linear.scatter [tilespmem:s17], [sflag:$0x4], $0x80, $0x38;
	[tilespmem:$0xE800] =	vst v63  }
0x148: {  	s12 =	sadd.s32 $0xC010, s5;
	s13 =	simm.s32 $0xD348  }
0x149: {  	[hbm4b:s12+s3] =	stream.linear.scatter [tilespmem:s13], [sflag:$0x4], $0x80, $0x38;
	[tilespmem:$0xE800] =	vst v63  }
0x14a: {  	s16 =	sadd.s32 $0xC020, s5;
	s17 =	simm.s32 $0xD3D0  }
0x14b: {  	[hbm4b:s16+s3] =	stream.linear.scatter [tilespmem:s17], [sflag:$0x4], $0x80, $0x38;
	[tilespmem:$0xE800] =	vst v63  }
0x14c: {  	s12 =	sadd.s32 $0xC030, s5;
	s13 =	simm.s32 $0xD458  }
0x14d: {  	[hbm4b:s12+s3] =	stream.linear.scatter [tilespmem:s13], [sflag:$0x4], $0x80, $0x38;
	[tilespmem:$0xE800] =	vst v63  }
0x14e: {  	s16 =	sadd.s32 $0xC040, s5;
	s17 =	simm.s32 $0xD4E0  }
0x14f: {  	[hbm4b:s16+s3] =	stream.linear.scatter [tilespmem:s17], [sflag:$0x4], $0x80, $0x38;
	[tilespmem:$0xE800] =	vst v63  }
0x150: {  	s12 =	sadd.s32 $0xC050, s5;
	s13 =	simm.s32 $0xD568  }
0x151: {  	[hbm4b:s12+s3] =	stream.linear.scatter [tilespmem:s13], [sflag:$0x4], $0x80, $0x38;
	[tilespmem:$0xE800] =	vst v63  }
0x152: {  	s16 =	sadd.s32 $0xC060, s5;
	s17 =	simm.s32 $0xD5F0  }
0x153: {  	[hbm4b:s16+s3] =	stream.linear.scatter [tilespmem:s17], [sflag:$0x4], $0x80, $0x38;
	[tilespmem:$0xE800] =	vst v63  }
0x154: {  	s12 =	sadd.s32 $0xC070, s5;
	s13 =	simm.s32 $0xD678  }
0x155: {  	[hbm4b:s12+s3] =	stream.linear.scatter [tilespmem:s13], [sflag:$0x4], $0x80, $0x38;
	[tilespmem:$0xE800] =	vst v63  }
0x156: {  	s7 =	sadd.s32 $0x10000, s5;
	s16 =	simm.s32 $0xD700  }
0x157: {  	[hbm4b:s7+s3] =	stream.linear.scatter [tilespmem:s16], [sflag:$0x4], $0x80, $0x38;
	[tilespmem:$0xE800] =	vst v63  }
0x158: {  	s17 =	sadd.s32 $0x10, s7;
	s12 =	simm.s32 $0xD788  }
0x159: {  	[hbm4b:s17+s3] =	stream.linear.scatter [tilespmem:s12], [sflag:$0x4], $0x80, $0x38;
	[tilespmem:$0xE800] =	vst v63  }
0x15a: {  	s13 =	simm.s32 $0xD810;
	s12 =	sadd.s32 $0x20, s7  }
0x15b: {  	[hbm4b:s12+s3] =	stream.linear.scatter [tilespmem:s13], [sflag:$0x4], $0x80, $0x38;
	[tilespmem:$0xE800] =	vst v63  }
0x15c: {  	s16 =	sadd.s32 $0x30, s7;
	s17 =	simm.s32 $0xD898  }
0x15d: {  	[hbm4b:s16+s3] =	stream.linear.scatter [tilespmem:s17], [sflag:$0x4], $0x80, $0x38;
	[tilespmem:$0xE800] =	vst v63  }
0x15e: {  	s12 =	sadd.s32 $0x40, s7;
	s13 =	simm.s32 $0xD920  }
0x15f: {  	[hbm4b:s12+s3] =	stream.linear.scatter [tilespmem:s13], [sflag:$0x4], $0x80, $0x38;
	[tilespmem:$0xE800] =	vst v63  }
0x160: {  	s16 =	sadd.s32 $0x50, s7;
	s17 =	simm.s32 $0xD9A8  }
0x161: {  	[hbm4b:s16+s3] =	stream.linear.scatter [tilespmem:s17], [sflag:$0x4], $0x80, $0x38;
	[tilespmem:$0xE800] =	vst v63  }
0x162: {  	s12 =	sadd.s32 $0x60, s7;
	s13 =	simm.s32 $0xDA30  }
0x163: {  	[hbm4b:s12+s3] =	stream.linear.scatter [tilespmem:s13], [sflag:$0x4], $0x80, $0x38;
	[tilespmem:$0xE800] =	vst v63  }
0x164: {  	s7 =	sadd.s32 $0x70, s7;
	s16 =	simm.s32 $0xDAB8  }
0x165: {  	[hbm4b:s7+s3] =	stream.linear.scatter [tilespmem:s16], [sflag:$0x4], $0x80, $0x38;
	[tilespmem:$0xE800] =	vst v63  }
0x166: {  	s17 =	simm.s32 $0xDB40;
	s7 =	sadd.s32 $0x14000, s5  }
0x167: {  	[hbm4b:s7+s3] =	stream.linear.scatter [tilespmem:s17], [sflag:$0x4], $0x80, $0x38;
	[tilespmem:$0xE800] =	vst v63  }
0x168: {  	s13 =	simm.s32 $0xDBC8;
	s12 =	sadd.s32 $0x10, s7  }
0x169: {  	[hbm4b:s12+s3] =	stream.linear.scatter [tilespmem:s13], [sflag:$0x4], $0x80, $0x38;
	[tilespmem:$0xE800] =	vst v63  }
0x16a: {  	s16 =	sadd.s32 $0x20, s7;
	s17 =	simm.s32 $0xDC50  }
0x16b: {  	[hbm4b:s16+s3] =	stream.linear.scatter [tilespmem:s17], [sflag:$0x4], $0x80, $0x38;
	[tilespmem:$0xE800] =	vst v63  }
0x16c: {  	s12 =	sadd.s32 $0x30, s7;
	s13 =	simm.s32 $0xDCD8  }
0x16d: {  	[hbm4b:s12+s3] =	stream.linear.scatter [tilespmem:s13], [sflag:$0x4], $0x80, $0x38;
	[tilespmem:$0xE800] =	vst v63  }
0x16e: {  	s16 =	sadd.s32 $0x40, s7;
	s17 =	simm.s32 $0xDD60  }
0x16f: {  	[hbm4b:s16+s3] =	stream.linear.scatter [tilespmem:s17], [sflag:$0x4], $0x80, $0x38;
	[tilespmem:$0xE800] =	vst v63  }
0x170: {  	s12 =	sadd.s32 $0x50, s7;
	s13 =	simm.s32 $0xDDE8  }
0x171: {  	[hbm4b:s12+s3] =	stream.linear.scatter [tilespmem:s13], [sflag:$0x4], $0x80, $0x38;
	[tilespmem:$0xE800] =	vst v63  }
0x172: {  	s16 =	sadd.s32 $0x60, s7;
	s17 =	simm.s32 $0xDE70  }
0x173: {  	[hbm4b:s16+s3] =	stream.linear.scatter [tilespmem:s17], [sflag:$0x4], $0x80, $0x38;
	[tilespmem:$0xE800] =	vst v63  }
0x174: {  	s7 =	sadd.s32 $0x70, s7;
	s12 =	simm.s32 $0xDEF8  }
0x175: {  	[hbm4b:s7+s3] =	stream.linear.scatter [tilespmem:s12], [sflag:$0x4], $0x80, $0x38;
	[tilespmem:$0xE800] =	vst v63  }
0x176: {  	s13 =	simm.s32 $0xDF80;
	s7 =	sadd.s32 $0x18000, s5  }
0x177: {  	[hbm4b:s7+s3] =	stream.linear.scatter [tilespmem:s13], [sflag:$0x4], $0x80, $0x38;
	[tilespmem:$0xE800] =	vst v63  }
0x178: {  	s17 =	simm.s32 $0xE008;
	s16 =	sadd.s32 $0x10, s7  }
0x179: {  	[hbm4b:s16+s3] =	stream.linear.scatter [tilespmem:s17], [sflag:$0x4], $0x80, $0x38;
	[tilespmem:$0xE800] =	vst v63  }
0x17a: {  	s13 =	sadd.s32 $0x20, s7;
	s16 =	simm.s32 $0xE090  }
0x17b: {  	[hbm4b:s13+s3] =	stream.linear.scatter [tilespmem:s16], [sflag:$0x4], $0x80, $0x38;
	[tilespmem:$0xE800] =	vst v63  }
0x17c: {  	s17 =	sadd.s32 $0x30, s7  }
0x17d: {  	[hbm4b:s17+s3] =	stream.linear.scatter [tilespmem:s18], [sflag:$0x4], $0x80, $0x38;
	[tilespmem:$0xE800] =	vst v63  }
0x17e: {  	s12 =	sadd.s32 $0x40, s7  }
0x17f: {  	[hbm4b:s12+s3] =	stream.linear.scatter [tilespmem:s19], [sflag:$0x4], $0x80, $0x38;
	[tilespmem:$0xE800] =	vst v63  }
0x180: {  	s13 =	sadd.s32 $0x50, s7  }
0x181: {  	[hbm4b:s13+s3] =	stream.linear.scatter [tilespmem:s20], [sflag:$0x4], $0x80, $0x38;
	[tilespmem:$0xE800] =	vst v63  }
0x182: {  	s16 =	sadd.s32 $0x60, s7  }
0x183: {  	[hbm4b:s16+s3] =	stream.linear.scatter [tilespmem:s21], [sflag:$0x4], $0x80, $0x38;
	[tilespmem:$0xE800] =	vst v63  }
0x184: {  	s7 =	sadd.s32 $0x70, s7  }
0x185: {  	[hbm4b:s7+s3] =	stream.linear.scatter [tilespmem:s22], [sflag:$0x4], $0x80, $0x38;
	[tilespmem:$0xE800] =	vst v63  }
0x186: {  	s5 =	sadd.s32 $0x1C000, s5  }
0x187: {  	[hbm4b:s5+s3] =	stream.linear.scatter [tilespmem:s23], [sflag:$0x4], $0x80, $0x38;
	[tilespmem:$0xE800] =	vst v63  }
0x188: {  	s17 =	sadd.s32 $0x10, s5  }
0x189: {  	[hbm4b:s17+s3] =	stream.linear.scatter [tilespmem:s24], [sflag:$0x4], $0x80, $0x38;
	[tilespmem:$0xE800] =	vst v63  }
0x18a: {  	s10 =	sadd.s32 $0x20, s5  }
0x18b: {  	[hbm4b:s10+s3] =	stream.linear.scatter [tilespmem:s25], [sflag:$0x4], $0x80, $0x38;
	[tilespmem:$0xE800] =	vst v63  }
0x18c: {  	s12 =	sadd.s32 $0x30, s5  }
0x18d: {  	[hbm4b:s12+s3] =	stream.linear.scatter [tilespmem:s26], [sflag:$0x4], $0x80, $0x38;
	[tilespmem:$0xE800] =	vst v63  }
0x18e: {  	s9 =	sadd.s32 $0x1, s9;
	s13 =	sadd.s32 $0x40, s5  }
0x18f: {  	[hbm4b:s13+s3] =	stream.linear.scatter [tilespmem:s28], [sflag:$0x4], $0x80, $0x38;
	[tilespmem:$0xE800] =	vst v63  }
0x190: {  	p0 =	sne.s32 s9, $0x64;
	s16 =	sadd.s32 $0x50, s5  }
0x191: {  	[hbm4b:s16+s3] =	stream.linear.scatter [tilespmem:s29], [sflag:$0x4], $0x80, $0x38;
	[tilespmem:$0xE800] =	vst v63  }
.Ltmp5:
0x192: {  	_ = 	snop;
	(pc) =	sbr.rel @p0 .LBB2_2-.Ltmp5, $4  }
0x193: {  	s17 =	sadd.s32 $0x60, s5  }
0x194: {  	[hbm4b:s17+s3] =	stream.linear.scatter [tilespmem:s30], [sflag:$0x4], $0x80, $0x38;
	[tilespmem:$0xE800] =	vst v63  }
0x195: {  	s5 =	sadd.s32 $0x70, s5  }
0x196: {  	[hbm4b:s5+s3] =	stream.linear.scatter [tilespmem:s31], [sflag:$0x4], $0x80, $0x38;
	[tilespmem:$0xE800] =	vst v63  }
0x197: {  	s5 =	simm.s32 $0x3  }
0x198: {  	_ =	swait.ge [sflag:s5], $0x400  }
0x199: {  	[sflag:s5] =	ssyncset.done $0x0  }
0x19a: {  	[sflag:s5] =	ssyncadd.s32 $0xFFFFFC00  }
0x19b: {  	_ =	swait.ge [sflag:s5], $0x400  }
0x19c: {  	[sflag:s5] =	ssyncset.done $0x0  }
0x19d: {  	[sflag:s5] =	ssyncadd.s32 $0xFFFFFC00  }
0x19e: {  	_ =	swait.ge [sflag:s5], $0x400  }
0x19f: {  	[sflag:s5] =	ssyncset.done $0x0  }
0x1a0: {  	[sflag:s5] =	ssyncadd.s32 $0xFFFFFC00  }
0x1a1: {  	_ =	swait.ge [sflag:s5], $0x400  }
0x1a2: {  	[sflag:s5] =	ssyncset.done $0x0  }
0x1a3: {  	[sflag:s5] =	ssyncadd.s32 $0xFFFFFC00  }
0x1a4: {  	_ =	swait.ge [sflag:s5], $0x400  }
0x1a5: {  	[sflag:s5] =	ssyncset.done $0x0  }
0x1a6: {  	[sflag:s5] =	ssyncadd.s32 $0xFFFFFC00  }
0x1a7: {  	_ =	swait.ge [sflag:s5], $0x400  }
0x1a8: {  	[sflag:s5] =	ssyncset.done $0x0  }
0x1a9: {  	[sflag:s5] =	ssyncadd.s32 $0xFFFFFC00  }
0x1aa: {  	_ =	swait.ge [sflag:s5], $0x400  }
0x1ab: {  	[sflag:s5] =	ssyncset.done $0x0  }
0x1ac: {  	[sflag:s5] =	ssyncadd.s32 $0xFFFFFC00  }
0x1ad: {  	_ =	swait.ge [sflag:s5], $0x400  }
0x1ae: {  	[sflag:s5] =	ssyncset.done $0x0  }
0x1af: {  	[sflag:s5] =	ssyncadd.s32 $0xFFFFFC00  }
0x1b0: {  	_ =	swait.ge [sflag:s0], $0x400  }
0x1b1: {  	[sflag:s0] =	ssyncset.done $0x0  }
0x1b2: {  	[sflag:s0] =	ssyncadd.s32 $0xFFFFFC00  }
0x1b3: {  	_ =	swait.ge [sflag:s0], $0x400  }
0x1b4: {  	[sflag:s0] =	ssyncset.done $0x0  }
0x1b5: {  	[sflag:s0] =	ssyncadd.s32 $0xFFFFFC00  }
0x1b6: {  	_ =	swait.ge [sflag:s0], $0x400  }
0x1b7: {  	[sflag:s0] =	ssyncset.done $0x0  }
0x1b8: {  	[sflag:s0] =	ssyncadd.s32 $0xFFFFFC00  }
0x1b9: {  	_ =	swait.ge [sflag:s0], $0x400  }
0x1ba: {  	[sflag:s0] =	ssyncset.done $0x0  }
0x1bb: {  	[sflag:s0] =	ssyncadd.s32 $0xFFFFFC00  }
0x1bc: {  	_ =	swait.ge [sflag:s0], $0x400  }
0x1bd: {  	[sflag:s0] =	ssyncset.done $0x0  }
0x1be: {  	[sflag:s0] =	ssyncadd.s32 $0xFFFFFC00  }
0x1bf: {  	_ =	swait.ge [sflag:s0], $0x400  }
0x1c0: {  	[sflag:s0] =	ssyncset.done $0x0  }
0x1c1: {  	[sflag:s0] =	ssyncadd.s32 $0xFFFFFC00  }
0x1c2: {  	_ =	swait.ge [sflag:s0], $0x400  }
0x1c3: {  	[sflag:s0] =	ssyncset.done $0x0  }
0x1c4: {  	[sflag:s0] =	ssyncadd.s32 $0xFFFFFC00  }
0x1c5: {  	_ =	swait.ge [sflag:s0], $0x400  }
0x1c6: {  	s7 =	rddreg [dreg:$0x5]  }
0x1c7: {  	s17 =	rddreg [dreg:$0x4];
	s7 =	sadd.s32 $0x1, s7  }
0x1c8: {  	p0 =	sne.s32 s7, s17  }
.Ltmp6:
0x1c9: {  	_ = 	snop;
	(pc) =	sbr.rel @p0 .LBB2_1-.Ltmp6, $3  }
0x1ca: {  	_ =	sdelay $0x1  }
0x1cb: {  	[sflag:s0] =	ssyncset.done $0x0  }
0x1cc: {  	[sflag:s0] =	ssyncadd.s32 $0xFFFFFC00  }
0x1cd: {  	_ =	sfence.sel $0x180000  }
0x1ce: {  	[bflag:$0x0] =	sbarrier.arrive $0xFFFF  }
0x1cf: {  	_ =	strace $0x90000047  }
0x1d0: {  	s0 =	stileid.u32;
	[bflag:$0x2] =	sbarrier.arrive $0xFFFF  }
0x1d1: {  	p0 =	sne.s32 s0, $0x0;
	s0 =	rddreg [dreg:$0x2]  }
0x1d2: {  	s0 =	sadd.s32 @!p0 $0x100000, s0  }
0x1d3: {  	[sflag:s0] =	ssyncadd.tile.s32 @!p0 $0x1;
	_ =	shalt  }
.Lfunc_end2:
_tile_overlayer_lowered:
.L_overlay_start_2:
0x1d4: {  	(tag) =	ssettag $0x2  }
0x1d5: {  	s0 =	rddreg [dreg:$0x0];
	s2 =	stileid.u32  }
0x1d6: {  	s1 =	rddreg [dreg:$0x1];
	p0 =	sne.s32 s2, $0x0  }
0x1d7: {  	s3 =	rddreg [dreg:$0x2];
	[bflag:$0x3] =	sbarrier.arrive $0xFFFF;
	s2 =	simm.s32 @!p0 $0x1C05  }
0x1d8: {  	[timem:s3], [sflag:s2] =	dma.local @!p0 [hbm:s0], s1  }
0x1d9: {  	s0 =	simm.s32 @!p0 $0x5  }
0x1da: {  	_ =	swait.ge @!p0 [sflag:s0], s1  }
0x1db: {  	s1 =	ssub.s32 @!p0 $0x0, s1;
	[sflag:s0] =	ssyncset.done @!p0 $0x0  }
0x1dc: {  	[sflag:s0] =	ssyncadd.s32 @!p0 s1  }
0x1dd: {  	[bflag:$0x3] =	sbarrier.arrive $0xFFFF  }
0x1de: {  	_ =	shalt  }

</sc_bundles>
